<compile_context>
chip_gen: v7x
topology: tpu7x:2x2x1
jax: 0.10.2.dev20260603
libtpu: 0.0.44.dev20260713+nightly
codegen_flags: <defaults>
</compile_context>

<pallas_src>
import functools

import jax
import jax.numpy as jnp
from jax import lax
from jax.experimental import pallas as pl
from jax.experimental.pallas import tpu as pltpu
from jax.experimental.pallas import tpu_sc as plsc

N = 10000
E = 320000
D = 128
NC = 2
NS = 16
NW = NC * NS
EPW = E // NW
CH = 80
NCHUNK = EPW // CH
RPT = 640
NA = NS * RPT
ZR = 160
CR = NA // D

_SC_MESH = plsc.VectorSubcoreMesh(core_axis_name="c", subcore_axis_name="s")


def _make_sc_spmm(with_counts):
    feat_t = jax.ShapeDtypeStruct((NC, NA, D), jnp.float32)
    out_type = (feat_t, jax.ShapeDtypeStruct((NC, CR, D), jnp.float32)) \
        if with_counts else feat_t
    scratch = [
        pltpu.VMEM_SHARED((NA, D), jnp.float32),
        pltpu.VMEM((ZR, D), jnp.float32),
        pltpu.VMEM((CH,), jnp.int32),
        pltpu.VMEM((CH,), jnp.int32),
        pltpu.VMEM((CH, D), jnp.float32),
        pltpu.SemaphoreType.DMA,
    ]
    if with_counts:
        scratch += [
            pltpu.VMEM_SHARED((CR, D), jnp.float32),
            pltpu.VMEM((CR, D), jnp.float32),
            pltpu.VMEM((CR,), jnp.int32),
        ]

    def body(x_hbm, src_hbm, dst_hbm, zeros_hbm, *rest):
        if with_counts:
            (iota_hbm, feat_out, cnt_out,
             acc, zbuf, sbuf, dbuf, rows, gsem, acc_cnt, cnt, iota_v) = rest
        else:
            feat_out, acc, zbuf, sbuf, dbuf, rows, gsem = rest
        c = lax.axis_index("c")
        s = lax.axis_index("s")
        wid = c * NS + s

        pltpu.sync_copy(zeros_hbm, zbuf)
        for j in range(RPT // ZR):
            pltpu.sync_copy(zbuf, acc.at[pl.ds(s * RPT + j * ZR, ZR)])
        if with_counts:
            z16 = jnp.zeros((16,), jnp.float32)

            def zrow(r, _):
                for j in range(D // 16):
                    cnt[r, pl.ds(j * 16, 16)] = z16
                return _

            lax.fori_loop(0, CR, zrow, None)
            pltpu.sync_copy(iota_hbm, iota_v)
            @pl.when(s < CR // 8)
            def _():
                pltpu.sync_copy(zbuf.at[pl.ds(0, 8)],
                                acc_cnt.at[pl.ds(s * 8, 8)])
        plsc.subcore_barrier()

        ones16 = jnp.full((16,), 1.0, jnp.float32)

        def chunk(k, _):
            off = pl.multiple_of(wid * EPW + k * CH, CH)
            pltpu.sync_copy(src_hbm.at[pl.ds(off, CH)], sbuf)
            pltpu.sync_copy(dst_hbm.at[pl.ds(off, CH)], dbuf)
            pltpu.async_copy(x_hbm.at[sbuf], rows, gsem).wait()
            pltpu.sync_copy(rows, acc.at[dbuf], add=True)
            if with_counts:
                for g in range(CH // 16):
                    idx = dbuf[pl.ds(g * 16, 16)]
                    plsc.addupdate_scatter(
                        cnt, [lax.shift_right_logical(idx, 7),
                              lax.bitwise_and(idx, 127)], ones16)
            return _

        lax.fori_loop(0, NCHUNK, chunk, None)

        if with_counts:
            pltpu.sync_copy(cnt, acc_cnt.at[iota_v], add=True)
        plsc.subcore_barrier()

        pltpu.sync_copy(acc.at[pl.ds(s * RPT, RPT)],
                        feat_out.at[c, pl.ds(s * RPT, RPT)])
        if with_counts:
            @pl.when(s < CR // 8)
            def _():
                pltpu.sync_copy(acc_cnt.at[pl.ds(s * 8, 8)],
                                cnt_out.at[c, pl.ds(s * 8, 8)])

    return pl.kernel(
        body, out_type=out_type, mesh=_SC_MESH, scratch_types=scratch,
        compiler_params=pltpu.CompilerParams(needs_layout_passes=False))


_sc_spmm_counts = _make_sc_spmm(True)
_sc_spmm = _make_sc_spmm(False)

_BR = 1000


def _tc_layer_body(S_ref, cnt_ref, W_ref, b_ref, out_ref):
    s = S_ref[0] + S_ref[1]
    cnt = cnt_ref[...]
    denom = jnp.maximum(cnt, 1.0)
    mask = (cnt > 0.0).astype(jnp.float32)
    h = lax.dot_general(s, W_ref[...], (((1,), (1,)), ((), ())),
                        preferred_element_type=jnp.float32)
    out_ref[...] = jnp.maximum(h / denom + mask * b_ref[...], 0.0)


def _tc_layer(S, cnt, W, b):
    return pl.pallas_call(
        _tc_layer_body,
        grid=(N // _BR,),
        in_specs=[
            pl.BlockSpec((NC, _BR, D), lambda i: (0, i, 0)),
            pl.BlockSpec((_BR, 1), lambda i: (i, 0)),
            pl.BlockSpec((D, D), lambda i: (0, 0)),
            pl.BlockSpec((1, D), lambda i: (0, 0)),
        ],
        out_specs=pl.BlockSpec((_BR, D), lambda i: (i, 0)),
        out_shape=jax.ShapeDtypeStruct((N, D), jnp.float32),
    )(S, cnt, W, b.reshape(1, D))


def _tc_final_body(S_ref, cnt_ref, W2_ref, b2_ref, W3_ref, b3_ref, out_ref):
    s = S_ref[0] + S_ref[1]
    cnt = cnt_ref[...]
    denom = jnp.maximum(cnt, 1.0)
    mask = (cnt > 0.0).astype(jnp.float32)
    h = lax.dot_general(s, W2_ref[...], (((1,), (1,)), ((), ())),
                        preferred_element_type=jnp.float32)
    h = jnp.maximum(h / denom + mask * b2_ref[...], 0.0)
    out_ref[...] = lax.dot_general(h, W3_ref[...], (((1,), (1,)), ((), ())),
                                   preferred_element_type=jnp.float32) + b3_ref[...]


def _tc_final(S, cnt, W2, b2, W3, b3):
    return pl.pallas_call(
        _tc_final_body,
        grid=(N // _BR,),
        in_specs=[
            pl.BlockSpec((NC, _BR, D), lambda i: (0, i, 0)),
            pl.BlockSpec((_BR, 1), lambda i: (i, 0)),
            pl.BlockSpec((D, D), lambda i: (0, 0)),
            pl.BlockSpec((1, D), lambda i: (0, 0)),
            pl.BlockSpec((D, D), lambda i: (0, 0)),
            pl.BlockSpec((1, D), lambda i: (0, 0)),
        ],
        out_specs=pl.BlockSpec((_BR, D), lambda i: (i, 0)),
        out_shape=jax.ShapeDtypeStruct((N, D), jnp.float32),
    )(S, cnt, W2, b2.reshape(1, D), W3, b3.reshape(1, D))


def kernel(x, edge_index, W1, b1, W2, b2, W3, b3):
    src = edge_index[0].astype(jnp.int32)
    dst = edge_index[1].astype(jnp.int32)
    zeros_blk = jnp.zeros((ZR, D), jnp.float32)
    iota_cr = jnp.arange(CR, dtype=jnp.int32)

    S1, C = _sc_spmm_counts(x, src, dst, zeros_blk, iota_cr)
    cnt = (C[0] + C[1]).reshape(NA, 1)[:N]
    h1 = _tc_layer(S1, cnt, W1, b1)
    S2 = _sc_spmm(h1, src, dst, zeros_blk)
    return _tc_final(S2, cnt, W2, b2, W3, b3)

# --- scband reference (transcript-rebuilt; emitter-appended) ---
"""Pipeline reference for scband-mpnnmodel-5153960755353 (READ-ONLY COPY).

The authoritative reference and input builder live on the scoring server;
editing this copy changes nothing except your own understanding.
"""

import jax, jax.numpy as jnp
import numpy as np

N_NODES = 10000
N_EDGES = 320000
D_IN = 128
D_HID = 128
D_OUT = 128

def setup_inputs(seed: int = 0) -> dict:
    key = jax.random.key(seed)
    ks = jax.random.split(key, 8)
    x = jax.random.normal(ks[0], (N_NODES, D_IN), dtype=jnp.float32)
    edge_index = jax.random.randint(ks[1], (2, N_EDGES), 0, N_NODES, dtype=jnp.int64 if jax.config.jax_enable_x64 else jnp.int32)
    s1 = 1.0 / np.sqrt(D_IN)
    W1 = jax.random.uniform(ks[2], (D_HID, D_IN), minval=-s1, maxval=s1, dtype=jnp.float32)
    b1 = jax.random.uniform(ks[3], (D_HID,), minval=-s1, maxval=s1, dtype=jnp.float32)
    s2 = 1.0 / np.sqrt(D_HID)
    W2 = jax.random.uniform(ks[4], (D_HID, D_HID), minval=-s2, maxval=s2, dtype=jnp.float32)
    b2 = jax.random.uniform(ks[5], (D_HID,), minval=-s2, maxval=s2, dtype=jnp.float32)
    W3 = jax.random.uniform(ks[6], (D_OUT, D_HID), minval=-s2, maxval=s2, dtype=jnp.float32)
    b3 = jax.random.uniform(ks[7], (D_OUT,), minval=-s2, maxval=s2, dtype=jnp.float32)
    return {"x": x, "edge_index": edge_index, "W1": W1, "b1": b1, "W2": W2, "b2": b2, "W3": W3, "b3": b3}

def reference(x, edge_index, W1, b1, W2, b2, W3, b3):
    n = x.shape[0]
    src = edge_index[0]
    dst = edge_index[1]
    # in-degree counts for mean aggregation (PyG aggr='mean'; isolated nodes -> 0)
    counts = jax.ops.segment_sum(jnp.ones((src.shape[0],), dtype=jnp.float32), dst, num_segments=n)
    denom = jnp.maximum(counts, 1.0)[:, None]
    def mpnn_layer(h, W, b):
        msg = h[src] @ W.T + b            # message on gathered source feats
        agg = jax.ops.segment_sum(msg, dst, num_segments=n)  # scatter-add to dst
        return agg / denom                 # mean aggregation
    h = jax.nn.relu(mpnn_layer(x, W1, b1))
    h = jax.nn.relu(mpnn_layer(h, W2, b2))
    out = h @ W3.T + b3
    return out

if __name__ == "__main__":
    import jax
    _d = setup_inputs()
    print(jax.jit(kernel)(*tuple(_d.values())))

</pallas_src>

<mosaic_0001>
#map = affine_map<(d0, d1) -> (0, 0)>
#map1 = affine_map<(d0, d1) -> (0)>
#map2 = affine_map<(d0, d1) -> (0, 0, 0)>
module attributes {stable_mosaic.version = 14 : i64} {
  func.func @body(%arg0: i32, %arg1: i32, %arg2: memref<10000x128xf32, #tpu.memory_space<hbm>>, %arg3: memref<320000xi32, #tpu.memory_space<hbm>>, %arg4: memref<320000xi32, #tpu.memory_space<hbm>>, %arg5: memref<160x128xf32, #tpu.memory_space<hbm>>, %arg6: memref<2x10240x128xf32, #tpu.memory_space<hbm>>, %arg7: memref<10240x128xf32, #tpu.memory_space<vmem_shared>>, %arg8: memref<160x128xf32, #tpu.memory_space<vmem>>, %arg9: memref<80xi32, #tpu.memory_space<vmem>>, %arg10: memref<80xi32, #tpu.memory_space<vmem>>, %arg11: memref<80x128xf32, #tpu.memory_space<vmem>>, %arg12: memref<!tpu.dma_semaphore, #tpu.memory_space<semaphore_mem>>) attributes {dimension_semantics = [#tpu.dimension_semantics<core_parallel>, #tpu.dimension_semantics<subcore_parallel>], iteration_bounds = array<i64: 2, 16>, scalar_prefetch = 0 : i64, scratch_operands = 6 : i64, tpu.core_type = #tpu.core_type<sc_vector_subcore>, window_params = [{transform_indices = #map}, {transform_indices = #map1}, {transform_indices = #map1}, {transform_indices = #map}, {transform_indices = #map2}]} {
    %mul3A = arith.constant 16 : i32
    %mul3A_0 = arith.muli %arg0, %mul3A : i32
    %add3A = arith.addi %mul3A_0, %arg1 : i32
    "tpu.region"() ({
      %run_scoped3A = tpu.sem_alloc : memref<!tpu.dma_semaphore, #tpu.memory_space<semaphore_mem>>
      tpu.enqueue_dma source(%arg5 : memref<160x128xf32, #tpu.memory_space<hbm>>) target(%arg8 : memref<160x128xf32, #tpu.memory_space<vmem>>) target_semaphore(%run_scoped3A : memref<!tpu.dma_semaphore, #tpu.memory_space<semaphore_mem>>)
      tpu.wait_dma2 semaphore(%run_scoped3A : memref<!tpu.dma_semaphore, #tpu.memory_space<semaphore_mem>>) src(%arg5 : memref<160x128xf32, #tpu.memory_space<hbm>>) dst(%arg8 : memref<160x128xf32, #tpu.memory_space<vmem>>)
      tpu.yield
    }) : () -> ()
    %mul3A_1 = arith.constant 640 : i32
    %mul3A_2 = arith.muli %arg1, %mul3A_1 : i32
    %add3A_3 = arith.constant 0 : i32
    %add3A_4 = arith.addi %mul3A_2, %add3A_3 : i32
    "tpu.region"() ({
      %run_scoped3A = tpu.sem_alloc : memref<!tpu.dma_semaphore, #tpu.memory_space<semaphore_mem>>
      %dma_start3A = arith.constant 0 : i32
      %dma_start3A_27 = tpu.memref_slice %arg7[%add3A_4, %dma_start3A] : memref<10240x128xf32, #tpu.memory_space<vmem_shared>> -> memref<160x128xf32, #tpu.memory_space<vmem_shared>>
      %dma_start3A_28 = arith.constant 0 : i32
      %dma_start3A_29 = tpu.memref_slice %arg7[%add3A_4, %dma_start3A_28] : memref<10240x128xf32, #tpu.memory_space<vmem_shared>> -> memref<160x128xf32, #tpu.memory_space<vmem_shared>>
      tpu.enqueue_dma source(%arg8 : memref<160x128xf32, #tpu.memory_space<vmem>>) target(%dma_start3A_29 : memref<160x128xf32, #tpu.memory_space<vmem_shared>>) target_semaphore(%run_scoped3A : memref<!tpu.dma_semaphore, #tpu.memory_space<semaphore_mem>>)
      %dma_wait3A = arith.constant 0 : i32
      %dma_wait3A_30 = tpu.memref_slice %arg7[%add3A_4, %dma_wait3A] : memref<10240x128xf32, #tpu.memory_space<vmem_shared>> -> memref<160x128xf32, #tpu.memory_space<vmem_shared>>
      %dma_wait3A_31 = arith.constant 0 : i32
      %dma_wait3A_32 = tpu.memref_slice %arg7[%add3A_4, %dma_wait3A_31] : memref<10240x128xf32, #tpu.memory_space<vmem_shared>> -> memref<160x128xf32, #tpu.memory_space<vmem_shared>>
      tpu.wait_dma2 semaphore(%run_scoped3A : memref<!tpu.dma_semaphore, #tpu.memory_space<semaphore_mem>>) src(%arg8 : memref<160x128xf32, #tpu.memory_space<vmem>>) dst(%dma_wait3A_32 : memref<160x128xf32, #tpu.memory_space<vmem_shared>>)
      tpu.yield
    }) : () -> ()
    %mul3A_5 = arith.constant 640 : i32
    %mul3A_6 = arith.muli %arg1, %mul3A_5 : i32
    %add3A_7 = arith.constant 160 : i32
    %add3A_8 = arith.addi %mul3A_6, %add3A_7 : i32
    "tpu.region"() ({
      %run_scoped3A = tpu.sem_alloc : memref<!tpu.dma_semaphore, #tpu.memory_space<semaphore_mem>>
      %dma_start3A = arith.constant 0 : i32
      %dma_start3A_27 = tpu.memref_slice %arg7[%add3A_8, %dma_start3A] : memref<10240x128xf32, #tpu.memory_space<vmem_shared>> -> memref<160x128xf32, #tpu.memory_space<vmem_shared>>
      %dma_start3A_28 = arith.constant 0 : i32
      %dma_start3A_29 = tpu.memref_slice %arg7[%add3A_8, %dma_start3A_28] : memref<10240x128xf32, #tpu.memory_space<vmem_shared>> -> memref<160x128xf32, #tpu.memory_space<vmem_shared>>
      tpu.enqueue_dma source(%arg8 : memref<160x128xf32, #tpu.memory_space<vmem>>) target(%dma_start3A_29 : memref<160x128xf32, #tpu.memory_space<vmem_shared>>) target_semaphore(%run_scoped3A : memref<!tpu.dma_semaphore, #tpu.memory_space<semaphore_mem>>)
      %dma_wait3A = arith.constant 0 : i32
      %dma_wait3A_30 = tpu.memref_slice %arg7[%add3A_8, %dma_wait3A] : memref<10240x128xf32, #tpu.memory_space<vmem_shared>> -> memref<160x128xf32, #tpu.memory_space<vmem_shared>>
      %dma_wait3A_31 = arith.constant 0 : i32
      %dma_wait3A_32 = tpu.memref_slice %arg7[%add3A_8, %dma_wait3A_31] : memref<10240x128xf32, #tpu.memory_space<vmem_shared>> -> memref<160x128xf32, #tpu.memory_space<vmem_shared>>
      tpu.wait_dma2 semaphore(%run_scoped3A : memref<!tpu.dma_semaphore, #tpu.memory_space<semaphore_mem>>) src(%arg8 : memref<160x128xf32, #tpu.memory_space<vmem>>) dst(%dma_wait3A_32 : memref<160x128xf32, #tpu.memory_space<vmem_shared>>)
      tpu.yield
    }) : () -> ()
    %mul3A_9 = arith.constant 640 : i32
    %mul3A_10 = arith.muli %arg1, %mul3A_9 : i32
    %add3A_11 = arith.constant 320 : i32
    %add3A_12 = arith.addi %mul3A_10, %add3A_11 : i32
    "tpu.region"() ({
      %run_scoped3A = tpu.sem_alloc : memref<!tpu.dma_semaphore, #tpu.memory_space<semaphore_mem>>
      %dma_start3A = arith.constant 0 : i32
      %dma_start3A_27 = tpu.memref_slice %arg7[%add3A_12, %dma_start3A] : memref<10240x128xf32, #tpu.memory_space<vmem_shared>> -> memref<160x128xf32, #tpu.memory_space<vmem_shared>>
      %dma_start3A_28 = arith.constant 0 : i32
      %dma_start3A_29 = tpu.memref_slice %arg7[%add3A_12, %dma_start3A_28] : memref<10240x128xf32, #tpu.memory_space<vmem_shared>> -> memref<160x128xf32, #tpu.memory_space<vmem_shared>>
      tpu.enqueue_dma source(%arg8 : memref<160x128xf32, #tpu.memory_space<vmem>>) target(%dma_start3A_29 : memref<160x128xf32, #tpu.memory_space<vmem_shared>>) target_semaphore(%run_scoped3A : memref<!tpu.dma_semaphore, #tpu.memory_space<semaphore_mem>>)
      %dma_wait3A = arith.constant 0 : i32
      %dma_wait3A_30 = tpu.memref_slice %arg7[%add3A_12, %dma_wait3A] : memref<10240x128xf32, #tpu.memory_space<vmem_shared>> -> memref<160x128xf32, #tpu.memory_space<vmem_shared>>
      %dma_wait3A_31 = arith.constant 0 : i32
      %dma_wait3A_32 = tpu.memref_slice %arg7[%add3A_12, %dma_wait3A_31] : memref<10240x128xf32, #tpu.memory_space<vmem_shared>> -> memref<160x128xf32, #tpu.memory_space<vmem_shared>>
      tpu.wait_dma2 semaphore(%run_scoped3A : memref<!tpu.dma_semaphore, #tpu.memory_space<semaphore_mem>>) src(%arg8 : memref<160x128xf32, #tpu.memory_space<vmem>>) dst(%dma_wait3A_32 : memref<160x128xf32, #tpu.memory_space<vmem_shared>>)
      tpu.yield
    }) : () -> ()
    %mul3A_13 = arith.constant 640 : i32
    %mul3A_14 = arith.muli %arg1, %mul3A_13 : i32
    %add3A_15 = arith.constant 480 : i32
    %add3A_16 = arith.addi %mul3A_14, %add3A_15 : i32
    "tpu.region"() ({
      %run_scoped3A = tpu.sem_alloc : memref<!tpu.dma_semaphore, #tpu.memory_space<semaphore_mem>>
      %dma_start3A = arith.constant 0 : i32
      %dma_start3A_27 = tpu.memref_slice %arg7[%add3A_16, %dma_start3A] : memref<10240x128xf32, #tpu.memory_space<vmem_shared>> -> memref<160x128xf32, #tpu.memory_space<vmem_shared>>
      %dma_start3A_28 = arith.constant 0 : i32
      %dma_start3A_29 = tpu.memref_slice %arg7[%add3A_16, %dma_start3A_28] : memref<10240x128xf32, #tpu.memory_space<vmem_shared>> -> memref<160x128xf32, #tpu.memory_space<vmem_shared>>
      tpu.enqueue_dma source(%arg8 : memref<160x128xf32, #tpu.memory_space<vmem>>) target(%dma_start3A_29 : memref<160x128xf32, #tpu.memory_space<vmem_shared>>) target_semaphore(%run_scoped3A : memref<!tpu.dma_semaphore, #tpu.memory_space<semaphore_mem>>)
      %dma_wait3A = arith.constant 0 : i32
      %dma_wait3A_30 = tpu.memref_slice %arg7[%add3A_16, %dma_wait3A] : memref<10240x128xf32, #tpu.memory_space<vmem_shared>> -> memref<160x128xf32, #tpu.memory_space<vmem_shared>>
      %dma_wait3A_31 = arith.constant 0 : i32
      %dma_wait3A_32 = tpu.memref_slice %arg7[%add3A_16, %dma_wait3A_31] : memref<10240x128xf32, #tpu.memory_space<vmem_shared>> -> memref<160x128xf32, #tpu.memory_space<vmem_shared>>
      tpu.wait_dma2 semaphore(%run_scoped3A : memref<!tpu.dma_semaphore, #tpu.memory_space<semaphore_mem>>) src(%arg8 : memref<160x128xf32, #tpu.memory_space<vmem>>) dst(%dma_wait3A_32 : memref<160x128xf32, #tpu.memory_space<vmem_shared>>)
      tpu.yield
    }) : () -> ()
    %barrier3A = arith.constant 0 : index
    tpu.barrier barrier_id(%barrier3A)
    %broadcast_in_dim3A = arith.constant 1.000000e+00 : f32
    %broadcast_in_dim3A_17 = vector.broadcast %broadcast_in_dim3A : f32 to vector<16xf32>
    %scan3A = arith.constant 0 : i32
    %scan3A_18 = arith.constant 125 : i32
    %scan3A_19 = arith.addi %scan3A, %scan3A_18 : i32
    %scan3A_20 = arith.constant 1 : i32
    scf.for %scan3A_27 = %scan3A to %scan3A_19 step %scan3A_20  : i32 {
      %mul3A_28 = arith.constant 10000 : i32
      %mul3A_29 = arith.muli %add3A, %mul3A_28 : i32
      %mul3A_30 = arith.constant 80 : i32
      %mul3A_31 = arith.muli %scan3A_27, %mul3A_30 : i32
      %add3A_32 = arith.addi %mul3A_29, %mul3A_31 : i32
      %multiple_of3A = tpu.assume_multiple %add3A_32, 80 : i32
      "tpu.region"() ({
        %run_scoped3A = tpu.sem_alloc : memref<!tpu.dma_semaphore, #tpu.memory_space<semaphore_mem>>
        %dma_start3A_37 = tpu.memref_slice %arg3[%multiple_of3A] : memref<320000xi32, #tpu.memory_space<hbm>> -> memref<80xi32, #tpu.memory_space<hbm>>
        %dma_start3A_38 = tpu.memref_slice %arg3[%multiple_of3A] : memref<320000xi32, #tpu.memory_space<hbm>> -> memref<80xi32, #tpu.memory_space<hbm>>
        tpu.enqueue_dma source(%dma_start3A_38 : memref<80xi32, #tpu.memory_space<hbm>>) target(%arg9 : memref<80xi32, #tpu.memory_space<vmem>>) target_semaphore(%run_scoped3A : memref<!tpu.dma_semaphore, #tpu.memory_space<semaphore_mem>>)
        %dma_wait3A_39 = tpu.memref_slice %arg3[%multiple_of3A] : memref<320000xi32, #tpu.memory_space<hbm>> -> memref<80xi32, #tpu.memory_space<hbm>>
        %dma_wait3A_40 = tpu.memref_slice %arg3[%multiple_of3A] : memref<320000xi32, #tpu.memory_space<hbm>> -> memref<80xi32, #tpu.memory_space<hbm>>
        tpu.wait_dma2 semaphore(%run_scoped3A : memref<!tpu.dma_semaphore, #tpu.memory_space<semaphore_mem>>) src(%dma_wait3A_40 : memref<80xi32, #tpu.memory_space<hbm>>) dst(%arg9 : memref<80xi32, #tpu.memory_space<vmem>>)
        tpu.yield
      }) : () -> ()
      "tpu.region"() ({
        %run_scoped3A = tpu.sem_alloc : memref<!tpu.dma_semaphore, #tpu.memory_space<semaphore_mem>>
        %dma_start3A_37 = tpu.memref_slice %arg4[%multiple_of3A] : memref<320000xi32, #tpu.memory_space<hbm>> -> memref<80xi32, #tpu.memory_space<hbm>>
        %dma_start3A_38 = tpu.memref_slice %arg4[%multiple_of3A] : memref<320000xi32, #tpu.memory_space<hbm>> -> memref<80xi32, #tpu.memory_space<hbm>>
        tpu.enqueue_dma source(%dma_start3A_38 : memref<80xi32, #tpu.memory_space<hbm>>) target(%arg10 : memref<80xi32, #tpu.memory_space<vmem>>) target_semaphore(%run_scoped3A : memref<!tpu.dma_semaphore, #tpu.memory_space<semaphore_mem>>)
        %dma_wait3A_39 = tpu.memref_slice %arg4[%multiple_of3A] : memref<320000xi32, #tpu.memory_space<hbm>> -> memref<80xi32, #tpu.memory_space<hbm>>
        %dma_wait3A_40 = tpu.memref_slice %arg4[%multiple_of3A] : memref<320000xi32, #tpu.memory_space<hbm>> -> memref<80xi32, #tpu.memory_space<hbm>>
        tpu.wait_dma2 semaphore(%run_scoped3A : memref<!tpu.dma_semaphore, #tpu.memory_space<semaphore_mem>>) src(%dma_wait3A_40 : memref<80xi32, #tpu.memory_space<hbm>>) dst(%arg10 : memref<80xi32, #tpu.memory_space<vmem>>)
        tpu.yield
      }) : () -> ()
      %dma_start3A = arith.constant 0 : i32
      %dma_start3A_33 = arith.constant 0 : i32
      %dma_start3A_34 = tpu.memref_slice %arg2[%dma_start3A, %dma_start3A_33] : memref<10000x128xf32, #tpu.memory_space<hbm>> -> memref<10000x128xf32, #tpu.memory_space<hbm>>
      tpu.enqueue_indirect_dma source(%dma_start3A_34 : memref<10000x128xf32, #tpu.memory_space<hbm>>) target(%arg11 : memref<80x128xf32, #tpu.memory_space<vmem>>) offsets(%arg9 : memref<80xi32, #tpu.memory_space<vmem>>) semaphore(%arg12 : memref<!tpu.dma_semaphore, #tpu.memory_space<semaphore_mem>>)
      %dma_wait3A = arith.constant 0 : i32
      %dma_wait3A_35 = arith.constant 0 : i32
      %dma_wait3A_36 = tpu.memref_slice %arg2[%dma_wait3A, %dma_wait3A_35] : memref<10000x128xf32, #tpu.memory_space<hbm>> -> memref<10000x128xf32, #tpu.memory_space<hbm>>
      tpu.wait_indirect_dma semaphore(%arg12 : memref<!tpu.dma_semaphore, #tpu.memory_space<semaphore_mem>>) src(%dma_wait3A_36 : memref<10000x128xf32, #tpu.memory_space<hbm>>) dst(%arg11 : memref<80x128xf32, #tpu.memory_space<vmem>>)
      "tpu.region"() ({
        %run_scoped3A = tpu.sem_alloc : memref<!tpu.dma_semaphore, #tpu.memory_space<semaphore_mem>>
        %dma_start3A_37 = arith.constant 0 : i32
        %dma_start3A_38 = arith.constant 0 : i32
        %dma_start3A_39 = tpu.memref_slice %arg7[%dma_start3A_37, %dma_start3A_38] : memref<10240x128xf32, #tpu.memory_space<vmem_shared>> -> memref<10240x128xf32, #tpu.memory_space<vmem_shared>>
        tpu.enqueue_indirect_dma source(%arg11 : memref<80x128xf32, #tpu.memory_space<vmem>>) target(%dma_start3A_39 : memref<10240x128xf32, #tpu.memory_space<vmem_shared>>) offsets(%arg10 : memref<80xi32, #tpu.memory_space<vmem>>) semaphore(%run_scoped3A : memref<!tpu.dma_semaphore, #tpu.memory_space<semaphore_mem>>) {add = true}
        %dma_wait3A_40 = arith.constant 0 : i32
        %dma_wait3A_41 = arith.constant 0 : i32
        %dma_wait3A_42 = tpu.memref_slice %arg7[%dma_wait3A_40, %dma_wait3A_41] : memref<10240x128xf32, #tpu.memory_space<vmem_shared>> -> memref<10240x128xf32, #tpu.memory_space<vmem_shared>>
        tpu.wait_indirect_dma semaphore(%run_scoped3A : memref<!tpu.dma_semaphore, #tpu.memory_space<semaphore_mem>>) src(%arg11 : memref<80x128xf32, #tpu.memory_space<vmem>>) dst(%dma_wait3A_42 : memref<10240x128xf32, #tpu.memory_space<vmem_shared>>)
        tpu.yield
      }) : () -> ()
    }
    %scan3A_21 = arith.constant 125 : i32
    %barrier3A_22 = arith.constant 0 : index
    tpu.barrier barrier_id(%barrier3A_22)
    %mul3A_23 = arith.constant 640 : i32
    %mul3A_24 = arith.muli %arg1, %mul3A_23 : i32
    %mul3A_25 = arith.constant 640 : i32
    %mul3A_26 = arith.muli %arg1, %mul3A_25 : i32
    "tpu.region"() ({
      %run_scoped3A = tpu.sem_alloc : memref<!tpu.dma_semaphore, #tpu.memory_space<semaphore_mem>>
      %dma_start3A = arith.constant 0 : i32
      %dma_start3A_27 = tpu.memref_slice %arg6[%arg0, %mul3A_26, %dma_start3A] : memref<2x10240x128xf32, #tpu.memory_space<hbm>> -> memref<1x640x128xf32, #tpu.memory_space<hbm>>
      %dma_start3A_28 = tpu.memref_squeeze %dma_start3A_27 : memref<1x640x128xf32, #tpu.memory_space<hbm>> -> memref<640x128xf32, #tpu.memory_space<hbm>>
      %dma_start3A_29 = arith.constant 0 : i32
      %dma_start3A_30 = tpu.memref_slice %arg7[%mul3A_24, %dma_start3A_29] : memref<10240x128xf32, #tpu.memory_space<vmem_shared>> -> memref<640x128xf32, #tpu.memory_space<vmem_shared>>
      tpu.enqueue_dma source(%dma_start3A_30 : memref<640x128xf32, #tpu.memory_space<vmem_shared>>) target(%dma_start3A_28 : memref<640x128xf32, #tpu.memory_space<hbm>>) target_semaphore(%run_scoped3A : memref<!tpu.dma_semaphore, #tpu.memory_space<semaphore_mem>>)
      %dma_wait3A = arith.constant 0 : i32
      %dma_wait3A_31 = tpu.memref_slice %arg6[%arg0, %mul3A_26, %dma_wait3A] : memref<2x10240x128xf32, #tpu.memory_space<hbm>> -> memref<1x640x128xf32, #tpu.memory_space<hbm>>
      %dma_wait3A_32 = tpu.memref_squeeze %dma_wait3A_31 : memref<1x640x128xf32, #tpu.memory_space<hbm>> -> memref<640x128xf32, #tpu.memory_space<hbm>>
      %dma_wait3A_33 = arith.constant 0 : i32
      %dma_wait3A_34 = tpu.memref_slice %arg7[%mul3A_24, %dma_wait3A_33] : memref<10240x128xf32, #tpu.memory_space<vmem_shared>> -> memref<640x128xf32, #tpu.memory_space<vmem_shared>>
      tpu.wait_dma2 semaphore(%run_scoped3A : memref<!tpu.dma_semaphore, #tpu.memory_space<semaphore_mem>>) src(%dma_wait3A_34 : memref<640x128xf32, #tpu.memory_space<vmem_shared>>) dst(%dma_wait3A_32 : memref<640x128xf32, #tpu.memory_space<hbm>>)
      tpu.yield
    }) : () -> ()
    return
  }
}

#map = affine_map<(d0, d1) -> (0, 0)>
#map1 = affine_map<(d0, d1) -> (0)>
#map2 = affine_map<(d0, d1) -> (0, 0, 0)>
module attributes {stable_mosaic.version = 14 : i64} {
  func.func @body(%arg0: i32, %arg1: i32, %arg2: memref<10000x128xf32, #tpu.memory_space<hbm>>, %arg3: memref<320000xi32, #tpu.memory_space<hbm>>, %arg4: memref<320000xi32, #tpu.memory_space<hbm>>, %arg5: memref<160x128xf32, #tpu.memory_space<hbm>>, %arg6: memref<80xi32, #tpu.memory_space<hbm>>, %arg7: memref<2x10240x128xf32, #tpu.memory_space<hbm>>, %arg8: memref<2x80x128xf32, #tpu.memory_space<hbm>>, %arg9: memref<10240x128xf32, #tpu.memory_space<vmem_shared>>, %arg10: memref<160x128xf32, #tpu.memory_space<vmem>>, %arg11: memref<80xi32, #tpu.memory_space<vmem>>, %arg12: memref<80xi32, #tpu.memory_space<vmem>>, %arg13: memref<80x128xf32, #tpu.memory_space<vmem>>, %arg14: memref<!tpu.dma_semaphore, #tpu.memory_space<semaphore_mem>>, %arg15: memref<80x128xf32, #tpu.memory_space<vmem_shared>>, %arg16: memref<80x128xf32, #tpu.memory_space<vmem>>, %arg17: memref<80xi32, #tpu.memory_space<vmem>>) attributes {dimension_semantics = [#tpu.dimension_semantics<core_parallel>, #tpu.dimension_semantics<subcore_parallel>], iteration_bounds = array<i64: 2, 16>, scalar_prefetch = 0 : i64, scratch_operands = 9 : i64, tpu.core_type = #tpu.core_type<sc_vector_subcore>, window_params = [{transform_indices = #map}, {transform_indices = #map1}, {transform_indices = #map1}, {transform_indices = #map}, {transform_indices = #map1}, {transform_indices = #map2}, {transform_indices = #map2}]} {
    %mul3A = arith.constant 16 : i32
    %mul3A_0 = arith.muli %arg0, %mul3A : i32
    %add3A = arith.addi %mul3A_0, %arg1 : i32
    "tpu.region"() ({
      %run_scoped3A = tpu.sem_alloc : memref<!tpu.dma_semaphore, #tpu.memory_space<semaphore_mem>>
      tpu.enqueue_dma source(%arg5 : memref<160x128xf32, #tpu.memory_space<hbm>>) target(%arg10 : memref<160x128xf32, #tpu.memory_space<vmem>>) target_semaphore(%run_scoped3A : memref<!tpu.dma_semaphore, #tpu.memory_space<semaphore_mem>>)
      tpu.wait_dma2 semaphore(%run_scoped3A : memref<!tpu.dma_semaphore, #tpu.memory_space<semaphore_mem>>) src(%arg5 : memref<160x128xf32, #tpu.memory_space<hbm>>) dst(%arg10 : memref<160x128xf32, #tpu.memory_space<vmem>>)
      tpu.yield
    }) : () -> ()
    %mul3A_1 = arith.constant 640 : i32
    %mul3A_2 = arith.muli %arg1, %mul3A_1 : i32
    %add3A_3 = arith.constant 0 : i32
    %add3A_4 = arith.addi %mul3A_2, %add3A_3 : i32
    "tpu.region"() ({
      %run_scoped3A = tpu.sem_alloc : memref<!tpu.dma_semaphore, #tpu.memory_space<semaphore_mem>>
      %dma_start3A = arith.constant 0 : i32
      %dma_start3A_41 = tpu.memref_slice %arg9[%add3A_4, %dma_start3A] : memref<10240x128xf32, #tpu.memory_space<vmem_shared>> -> memref<160x128xf32, #tpu.memory_space<vmem_shared>>
      %dma_start3A_42 = arith.constant 0 : i32
      %dma_start3A_43 = tpu.memref_slice %arg9[%add3A_4, %dma_start3A_42] : memref<10240x128xf32, #tpu.memory_space<vmem_shared>> -> memref<160x128xf32, #tpu.memory_space<vmem_shared>>
      tpu.enqueue_dma source(%arg10 : memref<160x128xf32, #tpu.memory_space<vmem>>) target(%dma_start3A_43 : memref<160x128xf32, #tpu.memory_space<vmem_shared>>) target_semaphore(%run_scoped3A : memref<!tpu.dma_semaphore, #tpu.memory_space<semaphore_mem>>)
      %dma_wait3A = arith.constant 0 : i32
      %dma_wait3A_44 = tpu.memref_slice %arg9[%add3A_4, %dma_wait3A] : memref<10240x128xf32, #tpu.memory_space<vmem_shared>> -> memref<160x128xf32, #tpu.memory_space<vmem_shared>>
      %dma_wait3A_45 = arith.constant 0 : i32
      %dma_wait3A_46 = tpu.memref_slice %arg9[%add3A_4, %dma_wait3A_45] : memref<10240x128xf32, #tpu.memory_space<vmem_shared>> -> memref<160x128xf32, #tpu.memory_space<vmem_shared>>
      tpu.wait_dma2 semaphore(%run_scoped3A : memref<!tpu.dma_semaphore, #tpu.memory_space<semaphore_mem>>) src(%arg10 : memref<160x128xf32, #tpu.memory_space<vmem>>) dst(%dma_wait3A_46 : memref<160x128xf32, #tpu.memory_space<vmem_shared>>)
      tpu.yield
    }) : () -> ()
    %mul3A_5 = arith.constant 640 : i32
    %mul3A_6 = arith.muli %arg1, %mul3A_5 : i32
    %add3A_7 = arith.constant 160 : i32
    %add3A_8 = arith.addi %mul3A_6, %add3A_7 : i32
    "tpu.region"() ({
      %run_scoped3A = tpu.sem_alloc : memref<!tpu.dma_semaphore, #tpu.memory_space<semaphore_mem>>
      %dma_start3A = arith.constant 0 : i32
      %dma_start3A_41 = tpu.memref_slice %arg9[%add3A_8, %dma_start3A] : memref<10240x128xf32, #tpu.memory_space<vmem_shared>> -> memref<160x128xf32, #tpu.memory_space<vmem_shared>>
      %dma_start3A_42 = arith.constant 0 : i32
      %dma_start3A_43 = tpu.memref_slice %arg9[%add3A_8, %dma_start3A_42] : memref<10240x128xf32, #tpu.memory_space<vmem_shared>> -> memref<160x128xf32, #tpu.memory_space<vmem_shared>>
      tpu.enqueue_dma source(%arg10 : memref<160x128xf32, #tpu.memory_space<vmem>>) target(%dma_start3A_43 : memref<160x128xf32, #tpu.memory_space<vmem_shared>>) target_semaphore(%run_scoped3A : memref<!tpu.dma_semaphore, #tpu.memory_space<semaphore_mem>>)
      %dma_wait3A = arith.constant 0 : i32
      %dma_wait3A_44 = tpu.memref_slice %arg9[%add3A_8, %dma_wait3A] : memref<10240x128xf32, #tpu.memory_space<vmem_shared>> -> memref<160x128xf32, #tpu.memory_space<vmem_shared>>
      %dma_wait3A_45 = arith.constant 0 : i32
      %dma_wait3A_46 = tpu.memref_slice %arg9[%add3A_8, %dma_wait3A_45] : memref<10240x128xf32, #tpu.memory_space<vmem_shared>> -> memref<160x128xf32, #tpu.memory_space<vmem_shared>>
      tpu.wait_dma2 semaphore(%run_scoped3A : memref<!tpu.dma_semaphore, #tpu.memory_space<semaphore_mem>>) src(%arg10 : memref<160x128xf32, #tpu.memory_space<vmem>>) dst(%dma_wait3A_46 : memref<160x128xf32, #tpu.memory_space<vmem_shared>>)
      tpu.yield
    }) : () -> ()
    %mul3A_9 = arith.constant 640 : i32
    %mul3A_10 = arith.muli %arg1, %mul3A_9 : i32
    %add3A_11 = arith.constant 320 : i32
    %add3A_12 = arith.addi %mul3A_10, %add3A_11 : i32
    "tpu.region"() ({
      %run_scoped3A = tpu.sem_alloc : memref<!tpu.dma_semaphore, #tpu.memory_space<semaphore_mem>>
      %dma_start3A = arith.constant 0 : i32
      %dma_start3A_41 = tpu.memref_slice %arg9[%add3A_12, %dma_start3A] : memref<10240x128xf32, #tpu.memory_space<vmem_shared>> -> memref<160x128xf32, #tpu.memory_space<vmem_shared>>
      %dma_start3A_42 = arith.constant 0 : i32
      %dma_start3A_43 = tpu.memref_slice %arg9[%add3A_12, %dma_start3A_42] : memref<10240x128xf32, #tpu.memory_space<vmem_shared>> -> memref<160x128xf32, #tpu.memory_space<vmem_shared>>
      tpu.enqueue_dma source(%arg10 : memref<160x128xf32, #tpu.memory_space<vmem>>) target(%dma_start3A_43 : memref<160x128xf32, #tpu.memory_space<vmem_shared>>) target_semaphore(%run_scoped3A : memref<!tpu.dma_semaphore, #tpu.memory_space<semaphore_mem>>)
      %dma_wait3A = arith.constant 0 : i32
      %dma_wait3A_44 = tpu.memref_slice %arg9[%add3A_12, %dma_wait3A] : memref<10240x128xf32, #tpu.memory_space<vmem_shared>> -> memref<160x128xf32, #tpu.memory_space<vmem_shared>>
      %dma_wait3A_45 = arith.constant 0 : i32
      %dma_wait3A_46 = tpu.memref_slice %arg9[%add3A_12, %dma_wait3A_45] : memref<10240x128xf32, #tpu.memory_space<vmem_shared>> -> memref<160x128xf32, #tpu.memory_space<vmem_shared>>
      tpu.wait_dma2 semaphore(%run_scoped3A : memref<!tpu.dma_semaphore, #tpu.memory_space<semaphore_mem>>) src(%arg10 : memref<160x128xf32, #tpu.memory_space<vmem>>) dst(%dma_wait3A_46 : memref<160x128xf32, #tpu.memory_space<vmem_shared>>)
      tpu.yield
    }) : () -> ()
    %mul3A_13 = arith.constant 640 : i32
    %mul3A_14 = arith.muli %arg1, %mul3A_13 : i32
    %add3A_15 = arith.constant 480 : i32
    %add3A_16 = arith.addi %mul3A_14, %add3A_15 : i32
    "tpu.region"() ({
      %run_scoped3A = tpu.sem_alloc : memref<!tpu.dma_semaphore, #tpu.memory_space<semaphore_mem>>
      %dma_start3A = arith.constant 0 : i32
      %dma_start3A_41 = tpu.memref_slice %arg9[%add3A_16, %dma_start3A] : memref<10240x128xf32, #tpu.memory_space<vmem_shared>> -> memref<160x128xf32, #tpu.memory_space<vmem_shared>>
      %dma_start3A_42 = arith.constant 0 : i32
      %dma_start3A_43 = tpu.memref_slice %arg9[%add3A_16, %dma_start3A_42] : memref<10240x128xf32, #tpu.memory_space<vmem_shared>> -> memref<160x128xf32, #tpu.memory_space<vmem_shared>>
      tpu.enqueue_dma source(%arg10 : memref<160x128xf32, #tpu.memory_space<vmem>>) target(%dma_start3A_43 : memref<160x128xf32, #tpu.memory_space<vmem_shared>>) target_semaphore(%run_scoped3A : memref<!tpu.dma_semaphore, #tpu.memory_space<semaphore_mem>>)
      %dma_wait3A = arith.constant 0 : i32
      %dma_wait3A_44 = tpu.memref_slice %arg9[%add3A_16, %dma_wait3A] : memref<10240x128xf32, #tpu.memory_space<vmem_shared>> -> memref<160x128xf32, #tpu.memory_space<vmem_shared>>
      %dma_wait3A_45 = arith.constant 0 : i32
      %dma_wait3A_46 = tpu.memref_slice %arg9[%add3A_16, %dma_wait3A_45] : memref<10240x128xf32, #tpu.memory_space<vmem_shared>> -> memref<160x128xf32, #tpu.memory_space<vmem_shared>>
      tpu.wait_dma2 semaphore(%run_scoped3A : memref<!tpu.dma_semaphore, #tpu.memory_space<semaphore_mem>>) src(%arg10 : memref<160x128xf32, #tpu.memory_space<vmem>>) dst(%dma_wait3A_46 : memref<160x128xf32, #tpu.memory_space<vmem_shared>>)
      tpu.yield
    }) : () -> ()
    %broadcast_in_dim3A = arith.constant 0.000000e+00 : f32
    %broadcast_in_dim3A_17 = vector.broadcast %broadcast_in_dim3A : f32 to vector<16xf32>
    %scan3A = arith.constant 0 : i32
    %scan3A_18 = arith.constant 80 : i32
    %scan3A_19 = arith.addi %scan3A, %scan3A_18 : i32
    %scan3A_20 = arith.constant 1 : i32
    scf.for %scan3A_41 = %scan3A to %scan3A_19 step %scan3A_20  : i32 {
      %swap3A = arith.index_cast %scan3A_41 : i32 to index
      %swap3A_42 = arith.constant 0 : index
      %swap3A_43 = tpu.vector_load %arg16[%swap3A, %swap3A_42] {strides = array<i32>} : memref<80x128xf32, #tpu.memory_space<vmem>>, vector<16xf32>,
      tpu.vector_store %arg16[%swap3A, %swap3A_42], %broadcast_in_dim3A_17 {strides = array<i32>} : memref<80x128xf32, #tpu.memory_space<vmem>>, vector<16xf32>,
      %swap3A_44 = arith.index_cast %scan3A_41 : i32 to index
      %swap3A_45 = arith.constant 16 : index
      %swap3A_46 = tpu.vector_load %arg16[%swap3A_44, %swap3A_45] {strides = array<i32>} : memref<80x128xf32, #tpu.memory_space<vmem>>, vector<16xf32>,
      tpu.vector_store %arg16[%swap3A_44, %swap3A_45], %broadcast_in_dim3A_17 {strides = array<i32>} : memref<80x128xf32, #tpu.memory_space<vmem>>, vector<16xf32>,
      %swap3A_47 = arith.index_cast %scan3A_41 : i32 to index
      %swap3A_48 = arith.constant 32 : index
      %swap3A_49 = tpu.vector_load %arg16[%swap3A_47, %swap3A_48] {strides = array<i32>} : memref<80x128xf32, #tpu.memory_space<vmem>>, vector<16xf32>,
      tpu.vector_store %arg16[%swap3A_47, %swap3A_48], %broadcast_in_dim3A_17 {strides = array<i32>} : memref<80x128xf32, #tpu.memory_space<vmem>>, vector<16xf32>,
      %swap3A_50 = arith.index_cast %scan3A_41 : i32 to index
      %swap3A_51 = arith.constant 48 : index
      %swap3A_52 = tpu.vector_load %arg16[%swap3A_50, %swap3A_51] {strides = array<i32>} : memref<80x128xf32, #tpu.memory_space<vmem>>, vector<16xf32>,
      tpu.vector_store %arg16[%swap3A_50, %swap3A_51], %broadcast_in_dim3A_17 {strides = array<i32>} : memref<80x128xf32, #tpu.memory_space<vmem>>, vector<16xf32>,
      %swap3A_53 = arith.index_cast %scan3A_41 : i32 to index
      %swap3A_54 = arith.constant 64 : index
      %swap3A_55 = tpu.vector_load %arg16[%swap3A_53, %swap3A_54] {strides = array<i32>} : memref<80x128xf32, #tpu.memory_space<vmem>>, vector<16xf32>,
      tpu.vector_store %arg16[%swap3A_53, %swap3A_54], %broadcast_in_dim3A_17 {strides = array<i32>} : memref<80x128xf32, #tpu.memory_space<vmem>>, vector<16xf32>,
      %swap3A_56 = arith.index_cast %scan3A_41 : i32 to index
      %swap3A_57 = arith.constant 80 : index
      %swap3A_58 = tpu.vector_load %arg16[%swap3A_56, %swap3A_57] {strides = array<i32>} : memref<80x128xf32, #tpu.memory_space<vmem>>, vector<16xf32>,
      tpu.vector_store %arg16[%swap3A_56, %swap3A_57], %broadcast_in_dim3A_17 {strides = array<i32>} : memref<80x128xf32, #tpu.memory_space<vmem>>, vector<16xf32>,
      %swap3A_59 = arith.index_cast %scan3A_41 : i32 to index
      %swap3A_60 = arith.constant 96 : index
      %swap3A_61 = tpu.vector_load %arg16[%swap3A_59, %swap3A_60] {strides = array<i32>} : memref<80x128xf32, #tpu.memory_space<vmem>>, vector<16xf32>,
      tpu.vector_store %arg16[%swap3A_59, %swap3A_60], %broadcast_in_dim3A_17 {strides = array<i32>} : memref<80x128xf32, #tpu.memory_space<vmem>>, vector<16xf32>,
      %swap3A_62 = arith.index_cast %scan3A_41 : i32 to index
      %swap3A_63 = arith.constant 112 : index
      %swap3A_64 = tpu.vector_load %arg16[%swap3A_62, %swap3A_63] {strides = array<i32>} : memref<80x128xf32, #tpu.memory_space<vmem>>, vector<16xf32>,
      tpu.vector_store %arg16[%swap3A_62, %swap3A_63], %broadcast_in_dim3A_17 {strides = array<i32>} : memref<80x128xf32, #tpu.memory_space<vmem>>, vector<16xf32>,
    }
    %scan3A_21 = arith.constant 80 : i32
    "tpu.region"() ({
      %run_scoped3A = tpu.sem_alloc : memref<!tpu.dma_semaphore, #tpu.memory_space<semaphore_mem>>
      tpu.enqueue_dma source(%arg6 : memref<80xi32, #tpu.memory_space<hbm>>) target(%arg17 : memref<80xi32, #tpu.memory_space<vmem>>) target_semaphore(%run_scoped3A : memref<!tpu.dma_semaphore, #tpu.memory_space<semaphore_mem>>)
      tpu.wait_dma2 semaphore(%run_scoped3A : memref<!tpu.dma_semaphore, #tpu.memory_space<semaphore_mem>>) src(%arg6 : memref<80xi32, #tpu.memory_space<hbm>>) dst(%arg17 : memref<80xi32, #tpu.memory_space<vmem>>)
      tpu.yield
    }) : () -> ()
    %lt3A = arith.constant 10 : i32
    %lt3A_22 = arith.cmpi slt, %arg1, %lt3A : i32
    %convert_element_type3A = arith.extui %lt3A_22 : i1 to i32
    %cond3A = arith.constant 0 : i32
    %cond3A_23 = arith.cmpi ne, %convert_element_type3A, %cond3A : i32
    scf.if %cond3A_23 {
      %mul3A_41 = arith.constant 8 : i32
      %mul3A_42 = arith.muli %arg1, %mul3A_41 : i32
      "tpu.region"() ({
        %run_scoped3A = tpu.sem_alloc : memref<!tpu.dma_semaphore, #tpu.memory_space<semaphore_mem>>
        %dma_start3A = arith.constant 0 : i32
        %dma_start3A_43 = arith.constant 0 : i32
        %dma_start3A_44 = tpu.memref_slice %arg10[%dma_start3A, %dma_start3A_43] : memref<160x128xf32, #tpu.memory_space<vmem>> -> memref<8x128xf32, #tpu.memory_space<vmem>>
        %dma_start3A_45 = arith.constant 0 : i32
        %dma_start3A_46 = tpu.memref_slice %arg15[%mul3A_42, %dma_start3A_45] : memref<80x128xf32, #tpu.memory_space<vmem_shared>> -> memref<8x128xf32, #tpu.memory_space<vmem_shared>>
        %dma_start3A_47 = arith.constant 0 : i32
        %dma_start3A_48 = tpu.memref_slice %arg15[%mul3A_42, %dma_start3A_47] : memref<80x128xf32, #tpu.memory_space<vmem_shared>> -> memref<8x128xf32, #tpu.memory_space<vmem_shared>>
        %dma_start3A_49 = arith.constant 0 : i32
        %dma_start3A_50 = arith.constant 0 : i32
        %dma_start3A_51 = tpu.memref_slice %arg10[%dma_start3A_49, %dma_start3A_50] : memref<160x128xf32, #tpu.memory_space<vmem>> -> memref<8x128xf32, #tpu.memory_space<vmem>>
        tpu.enqueue_dma source(%dma_start3A_51 : memref<8x128xf32, #tpu.memory_space<vmem>>) target(%dma_start3A_48 : memref<8x128xf32, #tpu.memory_space<vmem_shared>>) target_semaphore(%run_scoped3A : memref<!tpu.dma_semaphore, #tpu.memory_space<semaphore_mem>>)
        %dma_wait3A = arith.constant 0 : i32
        %dma_wait3A_52 = arith.constant 0 : i32
        %dma_wait3A_53 = tpu.memref_slice %arg10[%dma_wait3A, %dma_wait3A_52] : memref<160x128xf32, #tpu.memory_space<vmem>> -> memref<8x128xf32, #tpu.memory_space<vmem>>
        %dma_wait3A_54 = arith.constant 0 : i32
        %dma_wait3A_55 = tpu.memref_slice %arg15[%mul3A_42, %dma_wait3A_54] : memref<80x128xf32, #tpu.memory_space<vmem_shared>> -> memref<8x128xf32, #tpu.memory_space<vmem_shared>>
        %dma_wait3A_56 = arith.constant 0 : i32
        %dma_wait3A_57 = tpu.memref_slice %arg15[%mul3A_42, %dma_wait3A_56] : memref<80x128xf32, #tpu.memory_space<vmem_shared>> -> memref<8x128xf32, #tpu.memory_space<vmem_shared>>
        %dma_wait3A_58 = arith.constant 0 : i32
        %dma_wait3A_59 = arith.constant 0 : i32
        %dma_wait3A_60 = tpu.memref_slice %arg10[%dma_wait3A_58, %dma_wait3A_59] : memref<160x128xf32, #tpu.memory_space<vmem>> -> memref<8x128xf32, #tpu.memory_space<vmem>>
        tpu.wait_dma2 semaphore(%run_scoped3A : memref<!tpu.dma_semaphore, #tpu.memory_space<semaphore_mem>>) src(%dma_wait3A_60 : memref<8x128xf32, #tpu.memory_space<vmem>>) dst(%dma_wait3A_57 : memref<8x128xf32, #tpu.memory_space<vmem_shared>>)
        tpu.yield
      }) : () -> ()
    } else {
    }
    %barrier3A = arith.constant 0 : index
    tpu.barrier barrier_id(%barrier3A)
    %broadcast_in_dim3A_24 = arith.constant 1.000000e+00 : f32
    %broadcast_in_dim3A_25 = vector.broadcast %broadcast_in_dim3A_24 : f32 to vector<16xf32>
    %scan3A_26 = arith.constant 0 : i32
    %scan3A_27 = arith.constant 125 : i32
    %scan3A_28 = arith.addi %scan3A_26, %scan3A_27 : i32
    %scan3A_29 = arith.constant 1 : i32
    scf.for %scan3A_41 = %scan3A_26 to %scan3A_28 step %scan3A_29  : i32 {
      %mul3A_42 = arith.constant 10000 : i32
      %mul3A_43 = arith.muli %add3A, %mul3A_42 : i32
      %mul3A_44 = arith.constant 80 : i32
      %mul3A_45 = arith.muli %scan3A_41, %mul3A_44 : i32
      %add3A_46 = arith.addi %mul3A_43, %mul3A_45 : i32
      %multiple_of3A = tpu.assume_multiple %add3A_46, 80 : i32
      "tpu.region"() ({
        %run_scoped3A = tpu.sem_alloc : memref<!tpu.dma_semaphore, #tpu.memory_space<semaphore_mem>>
        %dma_start3A_88 = tpu.memref_slice %arg3[%multiple_of3A] : memref<320000xi32, #tpu.memory_space<hbm>> -> memref<80xi32, #tpu.memory_space<hbm>>
        %dma_start3A_89 = tpu.memref_slice %arg3[%multiple_of3A] : memref<320000xi32, #tpu.memory_space<hbm>> -> memref<80xi32, #tpu.memory_space<hbm>>
        tpu.enqueue_dma source(%dma_start3A_89 : memref<80xi32, #tpu.memory_space<hbm>>) target(%arg11 : memref<80xi32, #tpu.memory_space<vmem>>) target_semaphore(%run_scoped3A : memref<!tpu.dma_semaphore, #tpu.memory_space<semaphore_mem>>)
        %dma_wait3A_90 = tpu.memref_slice %arg3[%multiple_of3A] : memref<320000xi32, #tpu.memory_space<hbm>> -> memref<80xi32, #tpu.memory_space<hbm>>
        %dma_wait3A_91 = tpu.memref_slice %arg3[%multiple_of3A] : memref<320000xi32, #tpu.memory_space<hbm>> -> memref<80xi32, #tpu.memory_space<hbm>>
        tpu.wait_dma2 semaphore(%run_scoped3A : memref<!tpu.dma_semaphore, #tpu.memory_space<semaphore_mem>>) src(%dma_wait3A_91 : memref<80xi32, #tpu.memory_space<hbm>>) dst(%arg11 : memref<80xi32, #tpu.memory_space<vmem>>)
        tpu.yield
      }) : () -> ()
      "tpu.region"() ({
        %run_scoped3A = tpu.sem_alloc : memref<!tpu.dma_semaphore, #tpu.memory_space<semaphore_mem>>
        %dma_start3A_88 = tpu.memref_slice %arg4[%multiple_of3A] : memref<320000xi32, #tpu.memory_space<hbm>> -> memref<80xi32, #tpu.memory_space<hbm>>
        %dma_start3A_89 = tpu.memref_slice %arg4[%multiple_of3A] : memref<320000xi32, #tpu.memory_space<hbm>> -> memref<80xi32, #tpu.memory_space<hbm>>
        tpu.enqueue_dma source(%dma_start3A_89 : memref<80xi32, #tpu.memory_space<hbm>>) target(%arg12 : memref<80xi32, #tpu.memory_space<vmem>>) target_semaphore(%run_scoped3A : memref<!tpu.dma_semaphore, #tpu.memory_space<semaphore_mem>>)
        %dma_wait3A_90 = tpu.memref_slice %arg4[%multiple_of3A] : memref<320000xi32, #tpu.memory_space<hbm>> -> memref<80xi32, #tpu.memory_space<hbm>>
        %dma_wait3A_91 = tpu.memref_slice %arg4[%multiple_of3A] : memref<320000xi32, #tpu.memory_space<hbm>> -> memref<80xi32, #tpu.memory_space<hbm>>
        tpu.wait_dma2 semaphore(%run_scoped3A : memref<!tpu.dma_semaphore, #tpu.memory_space<semaphore_mem>>) src(%dma_wait3A_91 : memref<80xi32, #tpu.memory_space<hbm>>) dst(%arg12 : memref<80xi32, #tpu.memory_space<vmem>>)
        tpu.yield
      }) : () -> ()
      %dma_start3A = arith.constant 0 : i32
      %dma_start3A_47 = arith.constant 0 : i32
      %dma_start3A_48 = tpu.memref_slice %arg2[%dma_start3A, %dma_start3A_47] : memref<10000x128xf32, #tpu.memory_space<hbm>> -> memref<10000x128xf32, #tpu.memory_space<hbm>>
      tpu.enqueue_indirect_dma source(%dma_start3A_48 : memref<10000x128xf32, #tpu.memory_space<hbm>>) target(%arg13 : memref<80x128xf32, #tpu.memory_space<vmem>>) offsets(%arg11 : memref<80xi32, #tpu.memory_space<vmem>>) semaphore(%arg14 : memref<!tpu.dma_semaphore, #tpu.memory_space<semaphore_mem>>)
      %dma_wait3A = arith.constant 0 : i32
      %dma_wait3A_49 = arith.constant 0 : i32
      %dma_wait3A_50 = tpu.memref_slice %arg2[%dma_wait3A, %dma_wait3A_49] : memref<10000x128xf32, #tpu.memory_space<hbm>> -> memref<10000x128xf32, #tpu.memory_space<hbm>>
      tpu.wait_indirect_dma semaphore(%arg14 : memref<!tpu.dma_semaphore, #tpu.memory_space<semaphore_mem>>) src(%dma_wait3A_50 : memref<10000x128xf32, #tpu.memory_space<hbm>>) dst(%arg13 : memref<80x128xf32, #tpu.memory_space<vmem>>)
      "tpu.region"() ({
        %run_scoped3A = tpu.sem_alloc : memref<!tpu.dma_semaphore, #tpu.memory_space<semaphore_mem>>
        %dma_start3A_88 = arith.constant 0 : i32
        %dma_start3A_89 = arith.constant 0 : i32
        %dma_start3A_90 = tpu.memref_slice %arg9[%dma_start3A_88, %dma_start3A_89] : memref<10240x128xf32, #tpu.memory_space<vmem_shared>> -> memref<10240x128xf32, #tpu.memory_space<vmem_shared>>
        tpu.enqueue_indirect_dma source(%arg13 : memref<80x128xf32, #tpu.memory_space<vmem>>) target(%dma_start3A_90 : memref<10240x128xf32, #tpu.memory_space<vmem_shared>>) offsets(%arg12 : memref<80xi32, #tpu.memory_space<vmem>>) semaphore(%run_scoped3A : memref<!tpu.dma_semaphore, #tpu.memory_space<semaphore_mem>>) {add = true}
        %dma_wait3A_91 = arith.constant 0 : i32
        %dma_wait3A_92 = arith.constant 0 : i32
        %dma_wait3A_93 = tpu.memref_slice %arg9[%dma_wait3A_91, %dma_wait3A_92] : memref<10240x128xf32, #tpu.memory_space<vmem_shared>> -> memref<10240x128xf32, #tpu.memory_space<vmem_shared>>
        tpu.wait_indirect_dma semaphore(%run_scoped3A : memref<!tpu.dma_semaphore, #tpu.memory_space<semaphore_mem>>) src(%arg13 : memref<80x128xf32, #tpu.memory_space<vmem>>) dst(%dma_wait3A_93 : memref<10240x128xf32, #tpu.memory_space<vmem_shared>>)
        tpu.yield
      }) : () -> ()
      %get3A = arith.constant 0 : index
      %get3A_51 = tpu.vector_load %arg12[%get3A] {strides = array<i32>} : memref<80xi32, #tpu.memory_space<vmem>>, vector<16xi32>,
      %shift_right_logical3A = arith.constant 7 : i32
      %shift_right_logical3A_52 = vector.broadcast %shift_right_logical3A : i32 to vector<16xi32>
      %shift_right_logical3A_53 = arith.shrui %get3A_51, %shift_right_logical3A_52 : vector<16xi32>
      %and3A = arith.constant 127 : i32
      %and3A_54 = vector.broadcast %and3A : i32 to vector<16xi32>
      %and3A_55 = arith.andi %get3A_51, %and3A_54 : vector<16xi32>
      tpu.vector_store_idx %arg16[%shift_right_logical3A_53, %and3A_55], %broadcast_in_dim3A_25 {add = true} : memref<80x128xf32, #tpu.memory_space<vmem>>[vector<16xi32>, vector<16xi32>], vector<16xf32>,
      %get3A_56 = arith.constant 16 : index
      %get3A_57 = tpu.vector_load %arg12[%get3A_56] {strides = array<i32>} : memref<80xi32, #tpu.memory_space<vmem>>, vector<16xi32>,
      %shift_right_logical3A_58 = arith.constant 7 : i32
      %shift_right_logical3A_59 = vector.broadcast %shift_right_logical3A_58 : i32 to vector<16xi32>
      %shift_right_logical3A_60 = arith.shrui %get3A_57, %shift_right_logical3A_59 : vector<16xi32>
      %and3A_61 = arith.constant 127 : i32
      %and3A_62 = vector.broadcast %and3A_61 : i32 to vector<16xi32>
      %and3A_63 = arith.andi %get3A_57, %and3A_62 : vector<16xi32>
      tpu.vector_store_idx %arg16[%shift_right_logical3A_60, %and3A_63], %broadcast_in_dim3A_25 {add = true} : memref<80x128xf32, #tpu.memory_space<vmem>>[vector<16xi32>, vector<16xi32>], vector<16xf32>,
      %get3A_64 = arith.constant 32 : index
      %get3A_65 = tpu.vector_load %arg12[%get3A_64] {strides = array<i32>} : memref<80xi32, #tpu.memory_space<vmem>>, vector<16xi32>,
      %shift_right_logical3A_66 = arith.constant 7 : i32
      %shift_right_logical3A_67 = vector.broadcast %shift_right_logical3A_66 : i32 to vector<16xi32>
      %shift_right_logical3A_68 = arith.shrui %get3A_65, %shift_right_logical3A_67 : vector<16xi32>
      %and3A_69 = arith.constant 127 : i32
      %and3A_70 = vector.broadcast %and3A_69 : i32 to vector<16xi32>
      %and3A_71 = arith.andi %get3A_65, %and3A_70 : vector<16xi32>
      tpu.vector_store_idx %arg16[%shift_right_logical3A_68, %and3A_71], %broadcast_in_dim3A_25 {add = true} : memref<80x128xf32, #tpu.memory_space<vmem>>[vector<16xi32>, vector<16xi32>], vector<16xf32>,
      %get3A_72 = arith.constant 48 : index
      %get3A_73 = tpu.vector_load %arg12[%get3A_72] {strides = array<i32>} : memref<80xi32, #tpu.memory_space<vmem>>, vector<16xi32>,
      %shift_right_logical3A_74 = arith.constant 7 : i32
      %shift_right_logical3A_75 = vector.broadcast %shift_right_logical3A_74 : i32 to vector<16xi32>
      %shift_right_logical3A_76 = arith.shrui %get3A_73, %shift_right_logical3A_75 : vector<16xi32>
      %and3A_77 = arith.constant 127 : i32
      %and3A_78 = vector.broadcast %and3A_77 : i32 to vector<16xi32>
      %and3A_79 = arith.andi %get3A_73, %and3A_78 : vector<16xi32>
      tpu.vector_store_idx %arg16[%shift_right_logical3A_76, %and3A_79], %broadcast_in_dim3A_25 {add = true} : memref<80x128xf32, #tpu.memory_space<vmem>>[vector<16xi32>, vector<16xi32>], vector<16xf32>,
      %get3A_80 = arith.constant 64 : index
      %get3A_81 = tpu.vector_load %arg12[%get3A_80] {strides = array<i32>} : memref<80xi32, #tpu.memory_space<vmem>>, vector<16xi32>,
      %shift_right_logical3A_82 = arith.constant 7 : i32
      %shift_right_logical3A_83 = vector.broadcast %shift_right_logical3A_82 : i32 to vector<16xi32>
      %shift_right_logical3A_84 = arith.shrui %get3A_81, %shift_right_logical3A_83 : vector<16xi32>
      %and3A_85 = arith.constant 127 : i32
      %and3A_86 = vector.broadcast %and3A_85 : i32 to vector<16xi32>
      %and3A_87 = arith.andi %get3A_81, %and3A_86 : vector<16xi32>
      tpu.vector_store_idx %arg16[%shift_right_logical3A_84, %and3A_87], %broadcast_in_dim3A_25 {add = true} : memref<80x128xf32, #tpu.memory_space<vmem>>[vector<16xi32>, vector<16xi32>], vector<16xf32>,
    }
    %scan3A_30 = arith.constant 125 : i32
    "tpu.region"() ({
      %run_scoped3A = tpu.sem_alloc : memref<!tpu.dma_semaphore, #tpu.memory_space<semaphore_mem>>
      %dma_start3A = arith.constant 0 : i32
      %dma_start3A_41 = arith.constant 0 : i32
      %dma_start3A_42 = tpu.memref_slice %arg15[%dma_start3A, %dma_start3A_41] : memref<80x128xf32, #tpu.memory_space<vmem_shared>> -> memref<80x128xf32, #tpu.memory_space<vmem_shared>>
      tpu.enqueue_indirect_dma source(%arg16 : memref<80x128xf32, #tpu.memory_space<vmem>>) target(%dma_start3A_42 : memref<80x128xf32, #tpu.memory_space<vmem_shared>>) offsets(%arg17 : memref<80xi32, #tpu.memory_space<vmem>>) semaphore(%run_scoped3A : memref<!tpu.dma_semaphore, #tpu.memory_space<semaphore_mem>>) {add = true}
      %dma_wait3A = arith.constant 0 : i32
      %dma_wait3A_43 = arith.constant 0 : i32
      %dma_wait3A_44 = tpu.memref_slice %arg15[%dma_wait3A, %dma_wait3A_43] : memref<80x128xf32, #tpu.memory_space<vmem_shared>> -> memref<80x128xf32, #tpu.memory_space<vmem_shared>>
      tpu.wait_indirect_dma semaphore(%run_scoped3A : memref<!tpu.dma_semaphore, #tpu.memory_space<semaphore_mem>>) src(%arg16 : memref<80x128xf32, #tpu.memory_space<vmem>>) dst(%dma_wait3A_44 : memref<80x128xf32, #tpu.memory_space<vmem_shared>>)
      tpu.yield
    }) : () -> ()
    %barrier3A_31 = arith.constant 0 : index
    tpu.barrier barrier_id(%barrier3A_31)
    %mul3A_32 = arith.constant 640 : i32
    %mul3A_33 = arith.muli %arg1, %mul3A_32 : i32
    %mul3A_34 = arith.constant 640 : i32
    %mul3A_35 = arith.muli %arg1, %mul3A_34 : i32
    "tpu.region"() ({
      %run_scoped3A = tpu.sem_alloc : memref<!tpu.dma_semaphore, #tpu.memory_space<semaphore_mem>>
      %dma_start3A = arith.constant 0 : i32
      %dma_start3A_41 = tpu.memref_slice %arg7[%arg0, %mul3A_35, %dma_start3A] : memref<2x10240x128xf32, #tpu.memory_space<hbm>> -> memref<1x640x128xf32, #tpu.memory_space<hbm>>
      %dma_start3A_42 = tpu.memref_squeeze %dma_start3A_41 : memref<1x640x128xf32, #tpu.memory_space<hbm>> -> memref<640x128xf32, #tpu.memory_space<hbm>>
      %dma_start3A_43 = arith.constant 0 : i32
      %dma_start3A_44 = tpu.memref_slice %arg9[%mul3A_33, %dma_start3A_43] : memref<10240x128xf32, #tpu.memory_space<vmem_shared>> -> memref<640x128xf32, #tpu.memory_space<vmem_shared>>
      tpu.enqueue_dma source(%dma_start3A_44 : memref<640x128xf32, #tpu.memory_space<vmem_shared>>) target(%dma_start3A_42 : memref<640x128xf32, #tpu.memory_space<hbm>>) target_semaphore(%run_scoped3A : memref<!tpu.dma_semaphore, #tpu.memory_space<semaphore_mem>>)
      %dma_wait3A = arith.constant 0 : i32
      %dma_wait3A_45 = tpu.memref_slice %arg7[%arg0, %mul3A_35, %dma_wait3A] : memref<2x10240x128xf32, #tpu.memory_space<hbm>> -> memref<1x640x128xf32, #tpu.memory_space<hbm>>
      %dma_wait3A_46 = tpu.memref_squeeze %dma_wait3A_45 : memref<1x640x128xf32, #tpu.memory_space<hbm>> -> memref<640x128xf32, #tpu.memory_space<hbm>>
      %dma_wait3A_47 = arith.constant 0 : i32
      %dma_wait3A_48 = tpu.memref_slice %arg9[%mul3A_33, %dma_wait3A_47] : memref<10240x128xf32, #tpu.memory_space<vmem_shared>> -> memref<640x128xf32, #tpu.memory_space<vmem_shared>>
      tpu.wait_dma2 semaphore(%run_scoped3A : memref<!tpu.dma_semaphore, #tpu.memory_space<semaphore_mem>>) src(%dma_wait3A_48 : memref<640x128xf32, #tpu.memory_space<vmem_shared>>) dst(%dma_wait3A_46 : memref<640x128xf32, #tpu.memory_space<hbm>>)
      tpu.yield
    }) : () -> ()
    %lt3A_36 = arith.constant 10 : i32
    %lt3A_37 = arith.cmpi slt, %arg1, %lt3A_36 : i32
    %convert_element_type3A_38 = arith.extui %lt3A_37 : i1 to i32
    %cond3A_39 = arith.constant 0 : i32
    %cond3A_40 = arith.cmpi ne, %convert_element_type3A_38, %cond3A_39 : i32
    scf.if %cond3A_40 {
      %mul3A_41 = arith.constant 8 : i32
      %mul3A_42 = arith.muli %arg1, %mul3A_41 : i32
      %mul3A_43 = arith.constant 8 : i32
      %mul3A_44 = arith.muli %arg1, %mul3A_43 : i32
      "tpu.region"() ({
        %run_scoped3A = tpu.sem_alloc : memref<!tpu.dma_semaphore, #tpu.memory_space<semaphore_mem>>
        %dma_start3A = arith.constant 0 : i32
        %dma_start3A_45 = tpu.memref_slice %arg8[%arg0, %mul3A_44, %dma_start3A] : memref<2x80x128xf32, #tpu.memory_space<hbm>> -> memref<1x8x128xf32, #tpu.memory_space<hbm>>
        %dma_start3A_46 = tpu.memref_squeeze %dma_start3A_45 : memref<1x8x128xf32, #tpu.memory_space<hbm>> -> memref<8x128xf32, #tpu.memory_space<hbm>>
        %dma_start3A_47 = arith.constant 0 : i32
        %dma_start3A_48 = tpu.memref_slice %arg15[%mul3A_42, %dma_start3A_47] : memref<80x128xf32, #tpu.memory_space<vmem_shared>> -> memref<8x128xf32, #tpu.memory_space<vmem_shared>>
        tpu.enqueue_dma source(%dma_start3A_48 : memref<8x128xf32, #tpu.memory_space<vmem_shared>>) target(%dma_start3A_46 : memref<8x128xf32, #tpu.memory_space<hbm>>) target_semaphore(%run_scoped3A : memref<!tpu.dma_semaphore, #tpu.memory_space<semaphore_mem>>)
        %dma_wait3A = arith.constant 0 : i32
        %dma_wait3A_49 = tpu.memref_slice %arg8[%arg0, %mul3A_44, %dma_wait3A] : memref<2x80x128xf32, #tpu.memory_space<hbm>> -> memref<1x8x128xf32, #tpu.memory_space<hbm>>
        %dma_wait3A_50 = tpu.memref_squeeze %dma_wait3A_49 : memref<1x8x128xf32, #tpu.memory_space<hbm>> -> memref<8x128xf32, #tpu.memory_space<hbm>>
        %dma_wait3A_51 = arith.constant 0 : i32
        %dma_wait3A_52 = tpu.memref_slice %arg15[%mul3A_42, %dma_wait3A_51] : memref<80x128xf32, #tpu.memory_space<vmem_shared>> -> memref<8x128xf32, #tpu.memory_space<vmem_shared>>
        tpu.wait_dma2 semaphore(%run_scoped3A : memref<!tpu.dma_semaphore, #tpu.memory_space<semaphore_mem>>) src(%dma_wait3A_52 : memref<8x128xf32, #tpu.memory_space<vmem_shared>>) dst(%dma_wait3A_50 : memref<8x128xf32, #tpu.memory_space<hbm>>)
        tpu.yield
      }) : () -> ()
    } else {
    }
    return
  }
}

module attributes {stable_mosaic.version = 14 : i64} {
  func.func @_tc_layer_body(%arg0: i32, %arg1: memref<2x1000x128xf32, #tpu.memory_space<vmem>>, %arg2: memref<1000x1xf32, #tpu.memory_space<vmem>>, %arg3: memref<128x128xf32, #tpu.memory_space<vmem>>, %arg4: memref<1x128xf32, #tpu.memory_space<vmem>>, %arg5: memref<1000x128xf32, #tpu.memory_space<vmem>>) attributes {dimension_semantics = [#tpu.dimension_semantics<arbitrary>], iteration_bounds = array<i64: 10>, scalar_prefetch = 0 : i64, scratch_operands = 0 : i64, tpu.core_type = #tpu.core_type<tc>, window_params = [{transform_indices = @transform_0, window_bounds = array<i64: 2, 1000, 128>}, {transform_indices = @transform_1, window_bounds = array<i64: 1000, 1>}, {pipeline_mode = #tpu.pipeline_mode<synchronous>, transform_indices = @transform_2, window_bounds = array<i64: 128, 128>}, {pipeline_mode = #tpu.pipeline_mode<synchronous>, transform_indices = @transform_3, window_bounds = array<i64: 1, 128>}, {transform_indices = @transform_4, window_bounds = array<i64: 1000, 128>}]} {
    %get3A = arith.constant 0 : index
    %get3A_0 = arith.constant 0 : index
    %get3A_1 = arith.constant 0 : index
    %get3A_2 = vector.load %arg1[%get3A, %get3A_0, %get3A_1] : memref<2x1000x128xf32, #tpu.memory_space<vmem>>, vector<1x1000x128xf32>
    %get3A_3 = vector.shape_cast %get3A_2 : vector<1x1000x128xf32> to vector<1000x128xf32>
    %get3A_4 = arith.constant 1 : index
    %get3A_5 = arith.constant 0 : index
    %get3A_6 = arith.constant 0 : index
    %get3A_7 = vector.load %arg1[%get3A_4, %get3A_5, %get3A_6] : memref<2x1000x128xf32, #tpu.memory_space<vmem>>, vector<1x1000x128xf32>
    %get3A_8 = vector.shape_cast %get3A_7 : vector<1x1000x128xf32> to vector<1000x128xf32>
    %add3A = arith.addf %get3A_3, %get3A_8 : vector<1000x128xf32>
    %get3A_9 = arith.constant 0 : index
    %get3A_10 = arith.constant 0 : index
    %get3A_11 = vector.load %arg2[%get3A_9, %get3A_10] : memref<1000x1xf32, #tpu.memory_space<vmem>>, vector<1000x1xf32>
    %max3A = arith.constant 1.000000e+00 : f32
    %max3A_12 = vector.broadcast %max3A : f32 to vector<1000x1xf32>
    %max3A_13 = arith.maximumf %get3A_11, %max3A_12 : vector<1000x1xf32>
    %gt3A = arith.constant 0.000000e+00 : f32
    %gt3A_14 = vector.broadcast %gt3A : f32 to vector<1000x1xf32>
    %gt3A_15 = arith.cmpf ogt, %get3A_11, %gt3A_14 : vector<1000x1xf32>
    %convert_element_type3A = arith.extui %gt3A_15 : vector<1000x1xi1> to vector<1000x1xi32>
    %convert_element_type3A_16 = arith.sitofp %convert_element_type3A : vector<1000x1xi32> to vector<1000x1xf32>
    %get3A_17 = arith.constant 0 : index
    %get3A_18 = arith.constant 0 : index
    %get3A_19 = vector.load %arg3[%get3A_17, %get3A_18] : memref<128x128xf32, #tpu.memory_space<vmem>>, vector<128x128xf32>
    %dot_general3A = arith.constant dense<0.000000e+00> : vector<1000x128xf32>
    %dot_general3A_20 = tpu.matmul %add3A, %get3A_19, %dot_general3A {dimension_numbers = #tpu.dot_dimension_numbers<[1], [1], [0], [0], [0, 0, 1, 0], [], []>, transpose_lhs_hint = false} : vector<1000x128xf32>, vector<128x128xf32>, vector<1000x128xf32> -> vector<1000x128xf32>
    %div3A = vector.broadcast %max3A_13 : vector<1000x1xf32> to vector<1000x128xf32>
    %div3A_21 = arith.divf %dot_general3A_20, %div3A : vector<1000x128xf32>
    %get3A_22 = arith.constant 0 : index
    %get3A_23 = arith.constant 0 : index
    %get3A_24 = vector.load %arg4[%get3A_22, %get3A_23] : memref<1x128xf32, #tpu.memory_space<vmem>>, vector<1x128xf32>
    %mul3A = vector.broadcast %convert_element_type3A_16 : vector<1000x1xf32> to vector<1000x128xf32>
    %mul3A_25 = vector.broadcast %get3A_24 : vector<1x128xf32> to vector<1000x128xf32>
    %mul3A_26 = arith.mulf %mul3A, %mul3A_25 : vector<1000x128xf32>
    %add3A_27 = arith.addf %div3A_21, %mul3A_26 : vector<1000x128xf32>
    %max3A_28 = arith.constant 0.000000e+00 : f32
    %max3A_29 = vector.broadcast %max3A_28 : f32 to vector<1000x128xf32>
    %max3A_30 = arith.maximumf %add3A_27, %max3A_29 : vector<1000x128xf32>
    %swap3A = arith.constant 0 : index
    %swap3A_31 = arith.constant 0 : index
    %swap3A_32 = vector.load %arg5[%swap3A, %swap3A_31] : memref<1000x128xf32, #tpu.memory_space<vmem>>, vector<1000x128xf32>
    tpu.vector_store %arg5[%swap3A, %swap3A_31], %max3A_30 {strides = array<i32>} : memref<1000x128xf32, #tpu.memory_space<vmem>>, vector<1000x128xf32>,
    return
  }
  func.func @transform_0(%arg0: i32) -> (i32, i32, i32) {
    %c0_i32 = arith.constant 0 : i32
    %c0_i32_0 = arith.constant 0 : i32
    %c0_i32_1 = arith.constant 0 : i32
    return %c0_i32, %arg0, %c0_i32_0 : i32, i32, i32
  }
  func.func @transform_1(%arg0: i32) -> (i32, i32) {
    %c0_i32 = arith.constant 0 : i32
    %c0_i32_0 = arith.constant 0 : i32
    return %arg0, %c0_i32 : i32, i32
  }
  func.func @transform_2(%arg0: i32) -> (i32, i32) {
    %c0_i32 = arith.constant 0 : i32
    %c0_i32_0 = arith.constant 0 : i32
    %c0_i32_1 = arith.constant 0 : i32
    return %c0_i32, %c0_i32_0 : i32, i32
  }
  func.func @transform_3(%arg0: i32) -> (i32, i32) {
    %c0_i32 = arith.constant 0 : i32
    %c0_i32_0 = arith.constant 0 : i32
    %c0_i32_1 = arith.constant 0 : i32
    return %c0_i32, %c0_i32_0 : i32, i32
  }
  func.func @transform_4(%arg0: i32) -> (i32, i32) {
    %c0_i32 = arith.constant 0 : i32
    %c0_i32_0 = arith.constant 0 : i32
    return %arg0, %c0_i32 : i32, i32
  }
}

module attributes {stable_mosaic.version = 14 : i64} {
  func.func @_tc_final_body(%arg0: i32, %arg1: memref<2x1000x128xf32, #tpu.memory_space<vmem>>, %arg2: memref<1000x1xf32, #tpu.memory_space<vmem>>, %arg3: memref<128x128xf32, #tpu.memory_space<vmem>>, %arg4: memref<1x128xf32, #tpu.memory_space<vmem>>, %arg5: memref<128x128xf32, #tpu.memory_space<vmem>>, %arg6: memref<1x128xf32, #tpu.memory_space<vmem>>, %arg7: memref<1000x128xf32, #tpu.memory_space<vmem>>) attributes {dimension_semantics = [#tpu.dimension_semantics<arbitrary>], iteration_bounds = array<i64: 10>, scalar_prefetch = 0 : i64, scratch_operands = 0 : i64, tpu.core_type = #tpu.core_type<tc>, window_params = [{transform_indices = @transform_0, window_bounds = array<i64: 2, 1000, 128>}, {transform_indices = @transform_1, window_bounds = array<i64: 1000, 1>}, {pipeline_mode = #tpu.pipeline_mode<synchronous>, transform_indices = @transform_2, window_bounds = array<i64: 128, 128>}, {pipeline_mode = #tpu.pipeline_mode<synchronous>, transform_indices = @transform_3, window_bounds = array<i64: 1, 128>}, {pipeline_mode = #tpu.pipeline_mode<synchronous>, transform_indices = @transform_4, window_bounds = array<i64: 128, 128>}, {pipeline_mode = #tpu.pipeline_mode<synchronous>, transform_indices = @transform_5, window_bounds = array<i64: 1, 128>}, {transform_indices = @transform_6, window_bounds = array<i64: 1000, 128>}]} {
    %get3A = arith.constant 0 : index
    %get3A_0 = arith.constant 0 : index
    %get3A_1 = arith.constant 0 : index
    %get3A_2 = vector.load %arg1[%get3A, %get3A_0, %get3A_1] : memref<2x1000x128xf32, #tpu.memory_space<vmem>>, vector<1x1000x128xf32>
    %get3A_3 = vector.shape_cast %get3A_2 : vector<1x1000x128xf32> to vector<1000x128xf32>
    %get3A_4 = arith.constant 1 : index
    %get3A_5 = arith.constant 0 : index
    %get3A_6 = arith.constant 0 : index
    %get3A_7 = vector.load %arg1[%get3A_4, %get3A_5, %get3A_6] : memref<2x1000x128xf32, #tpu.memory_space<vmem>>, vector<1x1000x128xf32>
    %get3A_8 = vector.shape_cast %get3A_7 : vector<1x1000x128xf32> to vector<1000x128xf32>
    %add3A = arith.addf %get3A_3, %get3A_8 : vector<1000x128xf32>
    %get3A_9 = arith.constant 0 : index
    %get3A_10 = arith.constant 0 : index
    %get3A_11 = vector.load %arg2[%get3A_9, %get3A_10] : memref<1000x1xf32, #tpu.memory_space<vmem>>, vector<1000x1xf32>
    %max3A = arith.constant 1.000000e+00 : f32
    %max3A_12 = vector.broadcast %max3A : f32 to vector<1000x1xf32>
    %max3A_13 = arith.maximumf %get3A_11, %max3A_12 : vector<1000x1xf32>
    %gt3A = arith.constant 0.000000e+00 : f32
    %gt3A_14 = vector.broadcast %gt3A : f32 to vector<1000x1xf32>
    %gt3A_15 = arith.cmpf ogt, %get3A_11, %gt3A_14 : vector<1000x1xf32>
    %convert_element_type3A = arith.extui %gt3A_15 : vector<1000x1xi1> to vector<1000x1xi32>
    %convert_element_type3A_16 = arith.sitofp %convert_element_type3A : vector<1000x1xi32> to vector<1000x1xf32>
    %get3A_17 = arith.constant 0 : index
    %get3A_18 = arith.constant 0 : index
    %get3A_19 = vector.load %arg3[%get3A_17, %get3A_18] : memref<128x128xf32, #tpu.memory_space<vmem>>, vector<128x128xf32>
    %dot_general3A = arith.constant dense<0.000000e+00> : vector<1000x128xf32>
    %dot_general3A_20 = tpu.matmul %add3A, %get3A_19, %dot_general3A {dimension_numbers = #tpu.dot_dimension_numbers<[1], [1], [0], [0], [0, 0, 1, 0], [], []>, transpose_lhs_hint = false} : vector<1000x128xf32>, vector<128x128xf32>, vector<1000x128xf32> -> vector<1000x128xf32>
    %div3A = vector.broadcast %max3A_13 : vector<1000x1xf32> to vector<1000x128xf32>
    %div3A_21 = arith.divf %dot_general3A_20, %div3A : vector<1000x128xf32>
    %get3A_22 = arith.constant 0 : index
    %get3A_23 = arith.constant 0 : index
    %get3A_24 = vector.load %arg4[%get3A_22, %get3A_23] : memref<1x128xf32, #tpu.memory_space<vmem>>, vector<1x128xf32>
    %mul3A = vector.broadcast %convert_element_type3A_16 : vector<1000x1xf32> to vector<1000x128xf32>
    %mul3A_25 = vector.broadcast %get3A_24 : vector<1x128xf32> to vector<1000x128xf32>
    %mul3A_26 = arith.mulf %mul3A, %mul3A_25 : vector<1000x128xf32>
    %add3A_27 = arith.addf %div3A_21, %mul3A_26 : vector<1000x128xf32>
    %max3A_28 = arith.constant 0.000000e+00 : f32
    %max3A_29 = vector.broadcast %max3A_28 : f32 to vector<1000x128xf32>
    %max3A_30 = arith.maximumf %add3A_27, %max3A_29 : vector<1000x128xf32>
    %get3A_31 = arith.constant 0 : index
    %get3A_32 = arith.constant 0 : index
    %get3A_33 = vector.load %arg5[%get3A_31, %get3A_32] : memref<128x128xf32, #tpu.memory_space<vmem>>, vector<128x128xf32>
    %dot_general3A_34 = arith.constant dense<0.000000e+00> : vector<1000x128xf32>
    %dot_general3A_35 = tpu.matmul %max3A_30, %get3A_33, %dot_general3A_34 {dimension_numbers = #tpu.dot_dimension_numbers<[1], [1], [0], [0], [0, 0, 1, 0], [], []>, transpose_lhs_hint = false} : vector<1000x128xf32>, vector<128x128xf32>, vector<1000x128xf32> -> vector<1000x128xf32>
    %get3A_36 = arith.constant 0 : index
    %get3A_37 = arith.constant 0 : index
    %get3A_38 = vector.load %arg6[%get3A_36, %get3A_37] : memref<1x128xf32, #tpu.memory_space<vmem>>, vector<1x128xf32>
    %add3A_39 = vector.broadcast %get3A_38 : vector<1x128xf32> to vector<1000x128xf32>
    %add3A_40 = arith.addf %dot_general3A_35, %add3A_39 : vector<1000x128xf32>
    %swap3A = arith.constant 0 : index
    %swap3A_41 = arith.constant 0 : index
    %swap3A_42 = vector.load %arg7[%swap3A, %swap3A_41] : memref<1000x128xf32, #tpu.memory_space<vmem>>, vector<1000x128xf32>
    tpu.vector_store %arg7[%swap3A, %swap3A_41], %add3A_40 {strides = array<i32>} : memref<1000x128xf32, #tpu.memory_space<vmem>>, vector<1000x128xf32>,
    return
  }
  func.func @transform_0(%arg0: i32) -> (i32, i32, i32) {
    %c0_i32 = arith.constant 0 : i32
    %c0_i32_0 = arith.constant 0 : i32
    %c0_i32_1 = arith.constant 0 : i32
    return %c0_i32, %arg0, %c0_i32_0 : i32, i32, i32
  }
  func.func @transform_1(%arg0: i32) -> (i32, i32) {
    %c0_i32 = arith.constant 0 : i32
    %c0_i32_0 = arith.constant 0 : i32
    return %arg0, %c0_i32 : i32, i32
  }
  func.func @transform_2(%arg0: i32) -> (i32, i32) {
    %c0_i32 = arith.constant 0 : i32
    %c0_i32_0 = arith.constant 0 : i32
    %c0_i32_1 = arith.constant 0 : i32
    return %c0_i32, %c0_i32_0 : i32, i32
  }
  func.func @transform_3(%arg0: i32) -> (i32, i32) {
    %c0_i32 = arith.constant 0 : i32
    %c0_i32_0 = arith.constant 0 : i32
    %c0_i32_1 = arith.constant 0 : i32
    return %c0_i32, %c0_i32_0 : i32, i32
  }
  func.func @transform_4(%arg0: i32) -> (i32, i32) {
    %c0_i32 = arith.constant 0 : i32
    %c0_i32_0 = arith.constant 0 : i32
    %c0_i32_1 = arith.constant 0 : i32
    return %c0_i32, %c0_i32_0 : i32, i32
  }
  func.func @transform_5(%arg0: i32) -> (i32, i32) {
    %c0_i32 = arith.constant 0 : i32
    %c0_i32_0 = arith.constant 0 : i32
    %c0_i32_1 = arith.constant 0 : i32
    return %c0_i32, %c0_i32_0 : i32, i32
  }
  func.func @transform_6(%arg0: i32) -> (i32, i32) {
    %c0_i32 = arith.constant 0 : i32
    %c0_i32_0 = arith.constant 0 : i32
    return %arg0, %c0_i32 : i32, i32
  }
}

</mosaic_0001>

<sc_bundles>
// kernel: kernel.6.cloned.1.call-start
scs
__scs_entry_jumppad:
0x0: {  	(pc) =	sbr.rel $0x88, $3  }
0x1: {  	(tag) =	ssettag $0x0;
	lr =	simm.s32 $0x1  }
0x2: {  	[smem:$0x3F99] =	sst lr;
	_ =	strace $0xD0000000  }
0x3: {  	_ = 	snop  }
0x4: {  	_ = 	snop  }
0x5: {  	_ = 	snop  }
0x6: {  	_ = 	snop  }
0x7: {  	_ = 	snop  }
__scs_overlays_trampoline_lowered:
0x8: {  	[smem:$0x3FA8] =	sst s0  }
0x9: {  	[smem:$0x3FA9] =	sst s1  }
0xa: {  	[smem:$0x3FAA] =	sst s2  }
0xb: {  	[smem:$0x3FAB] =	sst s3  }
0xc: {  	[smem:$0x3FAC] =	sst s4  }
0xd: {  	[smem:$0x3FAD] =	sst s5  }
0xe: {  	[smem:$0x3FAE] =	sst s6  }
0xf: {  	[smem:$0x3FAF] =	sst s7  }
0x10: {  	[smem:$0x3FB0] =	sst s8  }
0x11: {  	[smem:$0x3FB1] =	sst s9;
	s0 =	simm.s32 @!p0 $0x0  }
0x12: {  	s1 =	sld [smem:$0x3F97];
	s0 =	simm.s32 @p0 $0x1  }
0x13: {  	[smem:$0x3FB2] =	sst s0;
	s0 =	simm.s32 @!p1 $0x0  }
0x14: {  	s2 =	sld [smem:$0x3F96];
	s0 =	simm.s32 @p1 $0x1  }
0x15: {  	[smem:$0x3FB3] =	sst s0;
	s0 =	simm.s32 @!p2 $0x0  }
0x16: {  	s3 =	sld [smem:$0x3FDB];
	s0 =	simm.s32 @p2 $0x1  }
0x17: {  	s4 =	simm.s32 $0x1BF5;
	[smem:$0x3FB5] =	sst s0  }
0x18: {  	s0 =	sld [smem:$0x3F98];
	_ =	swait.ge [sflag:s4], $0x0  }
0x19: {  	s7 =	sld [smem:$0x3F99]  }
0x1a: {  	s8 =	sadd.s32 $0xFFFFE003, lr  }
0x1b: {  	s9 =	sadd.s32 $0xFFFFFEF7, lr;
	s5 =	simm.s32 $0xFFFFFFFF;
	p2 =	slt.u32 s8, $0xFFFFF086  }
0x1c: {  	p1 =	slt.u32 s9, $0xF7A;
	s5 =	simm.s32 @!p2 $0x0  }
0x1d: {  	s5 =	simm.s32 @p1 $0x1;
	p0 =	seq.s32 s7, s2  }
0x1e: {  	s7 =	smul.u32 @!p0 $0xF7A, s2;
	p2 =	seq.s32 @!p0 s5, $0x0  }
0x1f: {  	s9 =	smul.u32 $0xF7A, s1;
	s8 =	simm.s32 @!p0 $0x1BF5;
	p2 =	por !p2, p0  }
0x20: {  	[sflag:s8] =	ssyncset.s32 @!p0 $0xFFFFF086;
	s6 =	sadd.s32 @!p0 s3, s7;
	s7 =	simm.s32 @!p0 $0x108  }
0x21: {  	s3 =	sadd.s32 s3, s9;
	s6 =	sadd.s32 @!p0 $0x88, s6;
	s7 =	simm.s32 @p2 $0x1082  }
0x22: {  	[simem:s7], [sflag:s8] =	dma.local @!p0 [hbm:s6], $0xF7A  }
0x23: {  	s9 =	sor.u32 $0xD0000000, s2;
	s6 =	simm.s32 $0x108;
	_ =	swait.ge @!p0 [sflag:s8], $0x0  }
0x24: {  	s3 =	sadd.s32 $0x88, s3;
	s6 =	simm.s32 @!p1 $0x1082;
	[sflag:s4] =	ssyncset.s32 $0xFFFFF086  }
0x25: {  	[simem:s6], [sflag:s4] =	dma.local [hbm:s3], $0xF7A  }
0x26: {  	[smem:$0x3F99] =	sst s1;
	(tag) =	ssettag s2;
	_ =	strace s9  }
0x27: {  	s1 =	sld [smem:$0x3FA9]  }
0x28: {  	s2 =	sld [smem:$0x3FAA]  }
0x29: {  	s4 =	sld [smem:$0x3FAC]  }
0x2a: {  	p0 =	seq.s32 s5, $0x0;
	s5 =	sld [smem:$0x3FAD]  }
0x2b: {  	s6 =	sld [smem:$0x3FAE]  }
0x2c: {  	s7 =	sld [smem:$0x3FAF]  }
0x2d: {  	s3 =	simm.s32 $0x108;
	s8 =	sld [smem:$0x3FB0]  }
0x2e: {  	s3 =	simm.s32 @!p0 $0x1082;
	s9 =	sld [smem:$0x3FB1]  }
0x2f: {  	lr =	sadd.s32 s0, s3;
	s0 =	sld [smem:$0x3FA8]  }
0x30: {  	s3 =	sld [smem:$0x3FAB]  }
0x31: {  	[smem:$0x3FB4] =	sst s10  }
0x32: {  	s10 =	sld [smem:$0x3FB2];
	_ =	sdelay $0x3  }
0x33: {  	p0 =	seq.s32 s10, $0x1;
	s10 =	sld [smem:$0x3FB4];
	_ =	sdelay $0x3  }
0x34: {  	[smem:$0x3FB4] =	sst s10  }
0x35: {  	s10 =	sld [smem:$0x3FB3];
	_ =	sdelay $0x3  }
0x36: {  	p1 =	seq.s32 s10, $0x1;
	s10 =	sld [smem:$0x3FB4];
	_ =	sdelay $0x3  }
0x37: {  	[smem:$0x3FB4] =	sst s10  }
0x38: {  	s10 =	sld [smem:$0x3FB5]  }
0x39: {  	_ = 	snop;
	(pc) =	sbr.ind lr, $3  }
0x3a: {  	_ = 	snop  }
0x3b: {  	_ = 	snop  }
0x3c: {  	p2 =	seq.s32 s10, $0x1;
	s10 =	sld [smem:$0x3FB4]  }
0x3d: {  	_ =	shalt  }
0x3e: {  	_ =	shalt  }
0x3f: {  	_ =	shalt  }
0x40: {  	_ =	shalt  }
0x41: {  	_ =	shalt  }
0x42: {  	_ =	shalt  }
0x43: {  	_ =	shalt  }
0x44: {  	_ =	shalt  }
0x45: {  	_ =	shalt  }
0x46: {  	_ =	shalt  }
0x47: {  	_ =	shalt  }
0x48: {  	_ =	shalt  }
0x49: {  	_ =	shalt  }
0x4a: {  	_ =	shalt  }
0x4b: {  	_ =	shalt  }
0x4c: {  	_ =	shalt  }
0x4d: {  	_ =	shalt  }
0x4e: {  	_ =	shalt  }
0x4f: {  	_ =	shalt  }
0x50: {  	_ =	shalt  }
0x51: {  	_ =	shalt  }
0x52: {  	_ =	shalt  }
0x53: {  	_ =	shalt  }
0x54: {  	_ =	shalt  }
0x55: {  	_ =	shalt  }
0x56: {  	_ =	shalt  }
0x57: {  	_ =	shalt  }
0x58: {  	_ =	shalt  }
0x59: {  	_ =	shalt  }
0x5a: {  	_ =	shalt  }
0x5b: {  	_ =	shalt  }
0x5c: {  	_ =	shalt  }
0x5d: {  	_ =	shalt  }
0x5e: {  	_ =	shalt  }
0x5f: {  	_ =	shalt  }
0x60: {  	_ =	shalt  }
0x61: {  	_ =	shalt  }
0x62: {  	_ =	shalt  }
0x63: {  	_ =	shalt  }
0x64: {  	_ =	shalt  }
0x65: {  	_ =	shalt  }
0x66: {  	_ =	shalt  }
0x67: {  	_ =	shalt  }
0x68: {  	_ =	shalt  }
0x69: {  	_ =	shalt  }
0x6a: {  	_ =	shalt  }
0x6b: {  	_ =	shalt  }
0x6c: {  	_ =	shalt  }
0x6d: {  	_ =	shalt  }
0x6e: {  	_ =	shalt  }
0x6f: {  	_ =	shalt  }
0x70: {  	_ =	shalt  }
0x71: {  	_ =	shalt  }
0x72: {  	_ =	shalt  }
0x73: {  	_ =	shalt  }
0x74: {  	_ =	shalt  }
0x75: {  	_ =	shalt  }
0x76: {  	_ =	shalt  }
0x77: {  	_ =	shalt  }
0x78: {  	_ =	shalt  }
0x79: {  	_ =	shalt  }
0x7a: {  	_ =	shalt  }
0x7b: {  	_ =	shalt  }
0x7c: {  	_ =	shalt  }
0x7d: {  	_ =	shalt  }
0x7e: {  	_ =	shalt  }
0x7f: {  	_ =	shalt  }
0x80: {  	_ =	shalt  }
0x81: {  	_ =	shalt  }
0x82: {  	_ =	shalt  }
0x83: {  	_ =	shalt  }
0x84: {  	_ =	shalt  }
0x85: {  	_ =	shalt  }
0x86: {  	_ =	shalt  }
0x87: {  	_ =	shalt  }
.Lfunc_end0:
.L_simem_size_0:
called_computation_lowered:
.L_overlay_start_0:
0x88: {  	s2 =	sld [smem:$0x3FD9]  }
0x89: {  	s3 =	sld [smem:$0x3FFE];
	_ =	sdelay $0x1  }
0x8a: {  	s1 =	srdreg.scid  }
0x8b: {  	s0 =	sand.u32 $0x1, s1  }
0x8c: {  	s17 =	sshll.u32 s0, $0xA;
	s2 =	sadd.s32 s3, s2  }
0x8d: {  	s2 =	sadd.s32 s2, s17  }
0x8e: {  	[smem:$0x3FC0] =	sst s2  }
0x8f: {  	_ = 	snop  }
0x90: {  	s2 =	sld [smem:$0x3FC9]  }
0x91: {  	s18 =	sld [smem:$0x3FD0];
	(tm) =	ssettm $0x1  }
0x92: {  	s4 =	sld [smem:$0x3FFB];
	_ =	sdelay $0x3  }
0x93: {  	_ =	strace s4  }
0x94: {  	s4 =	sld [smem:$0x3FFC];
	_ =	sdelay $0x3  }
0x95: {  	_ =	strace s4  }
0x96: {  	s4 =	sld [smem:$0x3FFD];
	_ =	sdelay $0x3  }
0x97: {  	_ =	strace s4  }
0x98: {  	_ =	strace $0x8FFFFFFF  }
0x99: {  	s19 =	sld [smem:$0x3FDB];
	_ =	sdelay $0x1  }
0x9a: {  	s5 =	simm.s32 $_scs_section_size  }
0x9b: {  	s6 =	simm.s32 $_size__tile_overlayer_lowered;
	s7 =	simm.s32 $_tile_overlayer_lowered  }
0x9c: {  	s22 =	simm.s32 $0x1BFF;
	s21 =	sshll.u32 s7, $0x1;
	s4 =	sadd.s32 s5, s19  }
0x9d: {  	s8 =	simm.s32 $0x0;
	s20 =	sshll.u32 s6, $0x1;
	s6 =	sadd.s32 s21, s4  }
0x9e: {  	[timem:s8], [sflag:s22] =	dma.local [hbm:s6], s20  }
0x9f: {  	_ =	swait.ge [sflag:s22], s20  }
0xa0: {  	s5 =	ssub.s32 $0x0, s20;
	[sflag:s22] =	ssyncset.done $0x0  }
0xa1: {  	[sflag:s22] =	ssyncadd.s32 s5;
	_ =	sdelay $0x1  }
0xa2: {  	s23 =	simm.s32 $0x1B8B  }
0xa3: {  	_ =	swait.ge [sflag:s23], $0x1  }
0xa4: {  	[sflag:s23] =	ssyncset.done $0x0  }
0xa5: {  	s25 =	simm.s32 $0x1B8E;
	s24 =	sld [smem:$0x3FFE];
	[sflag:s23] =	ssyncadd.s32 $0xFFFFFFFF  }
0xa6: {  	s26 =	simm.s32 $execute0_lowered;
	[smem:$0x3FD2] =	sst s25  }
0xa7: {  	s6 =	sshll.u32 s26, $0x1;
	_ =	strace $0x80000046;
	[dreg:$0x1] =	wrdreg $0xFFFFFFFF  }
0xa8: {  	s28 =	simm.s32 $_size_execute0_lowered;
	s4 =	sadd.s32 s4, s6;
	[dreg:$0x0] =	wrdreg $0x0  }
0xa9: {  	s6 =	sshll.u32 s28, $0x1;
	[dreg:$0x2] =	wrdreg s4  }
0xaa: {  	[dreg:$0x3] =	wrdreg s6  }
0xab: {  	[dreg:$0x4] =	wrdreg $0xC0  }
0xac: {  	_ =	task [dreg:s8], $0x5FFFF  }
0xad: {  	[dreg:$0x1] =	wrdreg $0xFFFFFFFF  }
0xae: {  	[dreg:$0x0] =	wrdreg $0x60  }
0xaf: {  	[dreg:$0x2] =	wrdreg s2  }
0xb0: {  	[dreg:$0x3] =	wrdreg s24  }
0xb1: {  	[dreg:$0x4] =	wrdreg s18  }
0xb2: {  	[dreg:$0x5] =	wrdreg $0x0  }
0xb3: {  	[dreg:$0x6] =	wrdreg $0x1B9000  }
0xb4: {  	[dreg:$0x7] =	wrdreg $0x9  }
0xb5: {  	_ =	task.clear_ibuf [dreg:s8], $0x8FFFF;
	_ =	strace $0x90000046  }
0xb6: {  	s29 =	simm.s32 $0x9;
	_ =	strace $0x80000048  }
0xb7: {  	_ =	swait.ge [sflag:s29], $0x1  }
0xb8: {  	[sflag:s29] =	ssyncadd.s32 $0xFFFFFFFF  }
0xb9: {  	_ =	strace $0x90000048  }
0xba: {  	_ =	sfence  }
0xbb: {  	s30 =	sld [smem:$0x0];
	_ =	sdelay $0x2  }
0xbc: {  	s31 =	sshll.u32 s1, $0xD;
	s1 =	sshrl.u32 s1, $0x2  }
0xbd: {  	s3 =	sand.u32 $0x4000, s31;
	s1 =	sadd.s32 s1, s30  }
0xbe: {  	s0 =	sor.u32 s3, s0;
	s1 =	sshll.u32 s1, $0x11  }
0xbf: {  	s0 =	sor.u32 s1, s0  }
0xc0: {  	s0 =	sadd.s32 $0x8F2B, s0  }
0xc1: {  	[sflag:s0] =	ssyncadd.remote.s32 $0x1  }
0xc2: {  	_ =	sfence.sel $0xFFFF  }
0xc3: {  	[dreg:$0x0] =	wrdreg $0xFFFFFFFF;
	(pc) =	sbr.abs _section_cstart, $3  }
0xc4: {  	[dreg:$0x1] =	wrdreg $0xFFFFFFFF  }
0xc5: {  	_ =	task.clear_ibuf [dreg:s8], $0x2FFFF;
	_ =	strace $0x9FFFFFFF  }
0xc6: {  	(tm) =	ssettm $0x7FFFFFFF  }
0xc7: {  	_ =	shalt  }
tec
execute0_lowered:
.L_overlay_start_1:
0x0: {  	(tag) =	ssettag $0x1  }
0x1: {  	s0 =	rddreg [dreg:$0x0]  }
0x2: {  	s8 =	rddreg [dreg:$0x1]  }
0x3: {  	s14 =	rddreg [dreg:$0x2]  }
0x4: {  	s3 =	rddreg [dreg:$0x3]  }
0x5: {  	s1 =	srdreg.scid;
	s4 =	rddreg [dreg:$0x4]  }
0x6: {  	s2 =	rddreg [dreg:$0x5];
	s5 =	simm.s32 $0x0;
	s9 =	sand.u32 $0x1, s1  }
0x7: {  	s19 =	simm.s32 $0x2;
	s1 =	stileid.u32;
	s6 =	smul.u32 $0x27100, s9  }
0x8: {  	s20 =	simm.s32 $0x1E380;
	s21 =	simm.s32 $0x19000;
	s7 =	smul.u32 $0x2710, s1  }
0x9: {  	s22 =	simm.s32 $0x19080;
	s23 =	simm.s32 $0x50;
	s10 =	smul.u32 $0x140000, s9  }
0xa: {  	s24 =	simm.s32 $0x19100;
	[smem:$0x7FF] =	sst s5;
	s25 =	smul.u32 $0x14000, s1  }
0xb: {  	s28 =	simm.s32 $0x0;
	_ =	strace $0x80000047;
	s11 =	smul.u32 $0x50000, s1  }
0xc: {  	s26 =	ssub.s32 $0x2, s9;
	s12 =	smul.u32 $0x2800, s9;
	s16 =	sshll.u32 s1, $0xA  }
0xd: {  	p0 =	sgt.u32 s1, $0x9;
	s30 =	sshrl.u32 s26, $0x1;
	s6 =	sadd.s32 s7, s6  }
0xe: {  	s10 =	sadd.s32 s25, s10;
	s7 =	sadd.s32 $0x15200, s8;
	s29 =	sshrl.u32 s11, $0x2  }
0xf: {  	s15 =	ssub.s32 s26, s30;
	s18 =	sadd.s32 s16, s12;
	s12 =	sadd.s32 s16, s4  }
0x10: {  	s25 =	simm.s32 $0x1;
	s26 =	simm.s32 $0x1BB80;
	s6 =	sshrl.u32 s6, $0x3  }
0x11: {  	s10 =	sshrl.u32 s10, $0x3;
	s31 =	sshrl.u32 s18, $0x3;
	s15 =	smax.u32 s15, $0x1  }
0x12: {  	s18 =	simm.s32 $0x14000;
	s17 =	sadd.s32 s6, s8;
	s6 =	sadd.s32 $0x15400, s8  }
0x13: {  	s13 =	sadd.s32 s10, s8;
	s8 =	sadd.s32 s29, s3;
	s14 =	sadd.s32 s14, s31  }
0x14: {  	s9 =	sadd.s32 $0x5000, s8;
	s10 =	sadd.s32 $0xA000, s8;
	s11 =	sadd.s32 $0xF000, s8  }
0x15: {  	v0 =	vimm.f32 $0.0e+00;
	v1 =	vimm.f32 $1.000000000e+00;
	s13 =	sadd.s32 $0x15E00, s13;
	s16 =	sadd.s32 $0x1600, s17;
	s17 =	sadd.s32 $0xB400, s17  }
.LBB2_1:
0x16: {  	[tilespmem:s18], [sflag:$0x2] =	stream.linear.gather [hbm4b:s6+s5], $0x5000, $0x38;
	[tilespmem:$0x1E400] =	vst v63  }
0x17: {  	_ =	swait.ge [sflag:s19], $0x5000  }
0x18: {  	[sflag:s19] =	ssyncset.done $0x0  }
0x19: {  	[sflag:s19] =	ssyncadd.s32 $0xFFFFB000  }
0x1a: {  	[spmem:s8] =	stream.linear.scatter [tilespmem:s18], [sflag:$0x2], $0x5000, $0x38;
	[tilespmem:$0x1E400] =	vst v63  }
0x1b: {  	_ =	swait.ge [sflag:s19], $0x5000  }
0x1c: {  	[sflag:s19] =	ssyncset.done $0x0  }
0x1d: {  	[sflag:s19] =	ssyncadd.s32 $0xFFFFB000  }
0x1e: {  	[spmem:s9] =	stream.linear.scatter [tilespmem:s18], [sflag:$0x2], $0x5000, $0x38;
	[tilespmem:$0x1E400] =	vst v63  }
0x1f: {  	_ =	swait.ge [sflag:s19], $0x5000  }
0x20: {  	[sflag:s19] =	ssyncset.done $0x0  }
0x21: {  	[sflag:s19] =	ssyncadd.s32 $0xFFFFB000  }
0x22: {  	[spmem:s10] =	stream.linear.scatter [tilespmem:s18], [sflag:$0x2], $0x5000, $0x38;
	[tilespmem:$0x1E400] =	vst v63  }
0x23: {  	_ =	swait.ge [sflag:s19], $0x5000  }
0x24: {  	[sflag:s19] =	ssyncset.done $0x0  }
0x25: {  	[sflag:s19] =	ssyncadd.s32 $0xFFFFB000  }
0x26: {  	[spmem:s11] =	stream.linear.scatter [tilespmem:s18], [sflag:$0x2], $0x5000, $0x38;
	[tilespmem:$0x1E400] =	vst v63  }
0x27: {  	_ =	swait.ge [sflag:s19], $0x5000  }
0x28: {  	[sflag:s19] =	ssyncset.done $0x0  }
0x29: {  	s29 =	simm.s32 $0x0;
	s30 =	simm.s32 $0x200;
	[sflag:s19] =	ssyncadd.s32 $0xFFFFB000  }
.LBB2_2:
0x2a: {  	p1 =	sne.s32 s30, $0x9E00;
	[tilespmem:s29+$0x1BBF0] =	vst v0  }
0x2b: {  	[tilespmem:s29+$0x1BB80] =	vst v0  }
0x2c: {  	[tilespmem:s29+$0x1BB90] =	vst v0  }
.Ltmp0:
0x2d: {  	[tilespmem:s29+$0x1BBA0] =	vst v0;
	(pc) =	sbr.rel @p1 .LBB2_2-.Ltmp0, $4  }
0x2e: {  	[tilespmem:s29+$0x1BBB0] =	vst v0  }
0x2f: {  	[tilespmem:s29+$0x1BBC0] =	vst v0  }
0x30: {  	[tilespmem:s29+$0x1BBD0] =	vst v0  }
0x31: {  	[tilespmem:s29+$0x1BBE0] =	vst v0;
	s29 =	sshra.s32 s30, $0x2;
	s30 =	sadd.s32 $0x200, s30  }
0x32: {  	[tilespmem:s29+$0x1BBF0] =	vst v0  }
0x33: {  	[tilespmem:s29+$0x1BB80] =	vst v0  }
0x34: {  	[tilespmem:s29+$0x1BB90] =	vst v0  }
0x35: {  	[tilespmem:s29+$0x1BBA0] =	vst v0  }
0x36: {  	[tilespmem:s29+$0x1BBB0] =	vst v0  }
0x37: {  	[tilespmem:s29+$0x1BBC0] =	vst v0  }
0x38: {  	[tilespmem:s29+$0x1BBD0] =	vst v0  }
0x39: {  	[tilespmem:s29+$0x1BBE0] =	vst v0  }
0x3a: {  	[tilespmem:s20], [sflag:$0x2] =	stream.linear.gather [hbm4b:s7+s5], $0x80, $0x38;
	[tilespmem:$0x1E400] =	vst v63  }
0x3b: {  	_ =	swait.ge [sflag:s19], $0x80  }
0x3c: {  	[sflag:s19] =	ssyncset.done $0x0  }
0x3d: {  	s29 =	simm.s32 @!p0 $0x14000;
	[sflag:s19] =	ssyncadd.s32 $0xFFFFFF80  }
0x3e: {  	[spmem:s12] =	stream.linear.scatter @!p0 [tilespmem:s29], [sflag:$0x2], $0x400, $0x38;
	[tilespmem:$0x1E400] =	vst v63  }
0x3f: {  	s29 =	simm.s32 @!p0 $0x2  }
0x40: {  	_ =	swait.ge @!p0 [sflag:s29], $0x400  }
0x41: {  	[sflag:s29] =	ssyncset.done @!p0 $0x0  }
0x42: {  	[sflag:s29] =	ssyncadd.s32 @!p0 $0xFFFFFC00  }
0x43: {  	s29 =	simm.s32 $0x0;
	[bflag:$0x0] =	sbarrier.arrive $0xFFFF  }
.LBB2_4:
0x44: {  	s30 =	sadd.s32 s29, s17  }
0x45: {  	[tilespmem:s21], [sflag:$0x2] =	stream.linear.gather [hbm4b:s30+s5], $0x50, $0x38;
	[tilespmem:$0x1E400] =	vst v63  }
0x46: {  	_ =	swait.ge [sflag:s19], $0x50  }
0x47: {  	[sflag:s19] =	ssyncset.done $0x0  }
0x48: {  	s31 =	sadd.s32 s29, s16;
	[sflag:s19] =	ssyncadd.s32 $0xFFFFFFB0  }
0x49: {  	[tilespmem:s22], [sflag:$0x2] =	stream.linear.gather [hbm4b:s31+s5], $0x50, $0x38;
	[tilespmem:$0x1E400] =	vst v63  }
0x4a: {  	_ =	swait.ge [sflag:s19], $0x50  }
0x4b: {  	[sflag:s19] =	ssyncset.done $0x0  }
0x4c: {  	[sflag:s19] =	ssyncadd.s32 $0xFFFFFFB0  }
0x4d: {  	[tilespmem:s24], [sflag:$0x1] =	stream.indirect.gather [hbm4b:s0+s23], $0x80, s21, s23, $0xb8;
	[tilespmem:$0x1E400] =	vst v63  }
0x4e: {  	_ =	swait.ge [sflag:s25], $0x2800  }
0x4f: {  	[sflag:s25] =	ssyncset.done $0x0  }
0x50: {  	[sflag:s25] =	ssyncadd.s32 $0xFFFFD800  }
0x51: {  	[spmem:s3] =	stream.indirect.scatter.add.f32 [tilespmem:s24], [sflag:$0x2], $0x80, s22, s23, $0xb8;
	[tilespmem:$0x1E400] =	vst v63  }
0x52: {  	_ =	swait.ge [sflag:s19], $0x2800  }
0x53: {  	[sflag:s19] =	ssyncset.done $0x0  }
0x54: {  	[sflag:s19] =	ssyncadd.s32 $0xFFFFD800  }
0x55: {  	v2 =	vld [tilespmem:$0x19080];
	_ =	sdelay $0x7  }
0x56: {  	[tilespmem:v2+s26+$0x0] =	vst.idx.add.f32.msk $0xffff, v1  }
0x57: {  	v2 =	vld [tilespmem:$0x19090];
	_ =	sdelay $0x7  }
0x58: {  	[tilespmem:v2+s26+$0x0] =	vst.idx.add.f32.msk $0xffff, v1  }
0x59: {  	v2 =	vld [tilespmem:$0x190A0];
	_ =	sdelay $0x7  }
0x5a: {  	[tilespmem:v2+s26+$0x0] =	vst.idx.add.f32.msk $0xffff, v1  }
0x5b: {  	v2 =	vld [tilespmem:$0x190B0];
	_ =	sdelay $0x7  }
0x5c: {  	[tilespmem:v2+s26+$0x0] =	vst.idx.add.f32.msk $0xffff, v1  }
0x5d: {  	v2 =	vld [tilespmem:$0x190C0];
	_ =	sdelay $0x2  }
0x5e: {  	p1 =	sne.s32 s29, $0x4D8  }
.Ltmp1:
0x5f: {  	_ = 	snop;
	(pc) =	sbr.rel @p1 .LBB2_4-.Ltmp1, $2  }
0x60: {  	_ =	sdelay $0x2  }
0x61: {  	s29 =	sadd.s32 $0xA, s29;
	[tilespmem:v2+s26+$0x0] =	vst.idx.add.f32.msk $0xffff, v1  }
0x62: {  	[spmem:s4] =	stream.indirect.scatter.add.f32 [tilespmem:s26], [sflag:$0x2], $0x80, s20, s23, $0xb8;
	[tilespmem:$0x1E400] =	vst v63  }
0x63: {  	_ =	swait.ge [sflag:s19], $0x2800  }
0x64: {  	[sflag:s19] =	ssyncset.done $0x0  }
0x65: {  	s29 =	sshll.u32 s1, $0x6;
	[sflag:s19] =	ssyncadd.s32 $0xFFFFD800  }
0x66: {  	s30 =	sshrl.u32 s8, $0x3;
	s29 =	sor.u32 $0x1C02, s29;
	[bflag:$0x0] =	sbarrier.arrive $0xFFFF  }
0x67: {  	[hbm:s13], [sflag:s29] =	dma.local [spmem:s30], $0x2800  }
0x68: {  	_ =	swait.ge [sflag:s19], $0x2800  }
0x69: {  	s28 =	sadd.s32 $0x1, s28;
	[sflag:s19] =	ssyncset.done $0x0  }
0x6a: {  	p1 =	sne.s32 s28, s15;
	s30 =	sshrl.u32 @!p0 s12, $0x3;
	[sflag:s19] =	ssyncadd.s32 $0xFFFFD800  }
0x6b: {  	[hbm:s14], [sflag:s29] =	dma.local @!p0 [spmem:s30], $0x80  }
.Ltmp2:
0x6c: {  	_ = 	snop;
	(pc) =	sbr.rel @p1 .LBB2_1-.Ltmp2, $4  }
0x6d: {  	s29 =	simm.s32 @!p0 $0x2  }
0x6e: {  	_ =	swait.ge @!p0 [sflag:s29], $0x80  }
0x6f: {  	[sflag:s29] =	ssyncset.done @!p0 $0x0  }
0x70: {  	[sflag:s29] =	ssyncadd.s32 @!p0 $0xFFFFFF80  }
0x71: {  	_ =	sfence.sel $0x180000  }
0x72: {  	[bflag:$0x0] =	sbarrier.arrive $0xFFFF  }
0x73: {  	p0 =	sne.s32 s1, $0x0;
	_ =	strace $0x90000047  }
0x74: {  	s0 =	sadd.s32 @!p0 $0x100000, s2;
	[bflag:$0x2] =	sbarrier.arrive $0xFFFF  }
0x75: {  	[sflag:s0] =	ssyncadd.tile.s32 @!p0 $0x1;
	_ =	shalt  }
.Lfunc_end2:
_tile_overlayer_lowered:
.L_overlay_start_2:
0x76: {  	(tag) =	ssettag $0x2  }
0x77: {  	s0 =	rddreg [dreg:$0x0];
	s2 =	stileid.u32  }
0x78: {  	s1 =	rddreg [dreg:$0x1];
	p0 =	sne.s32 s2, $0x0  }
0x79: {  	s3 =	rddreg [dreg:$0x2];
	[bflag:$0x3] =	sbarrier.arrive $0xFFFF;
	s2 =	simm.s32 @!p0 $0x1C02  }
0x7a: {  	[timem:s3], [sflag:s2] =	dma.local @!p0 [hbm:s0], s1  }
0x7b: {  	s0 =	simm.s32 @!p0 $0x2  }
0x7c: {  	_ =	swait.ge @!p0 [sflag:s0], s1  }
0x7d: {  	s1 =	ssub.s32 @!p0 $0x0, s1;
	[sflag:s0] =	ssyncset.done @!p0 $0x0  }
0x7e: {  	[sflag:s0] =	ssyncadd.s32 @!p0 s1  }
0x7f: {  	[bflag:$0x3] =	sbarrier.arrive $0xFFFF  }
0x80: {  	_ =	shalt  }

// kernel: kernel.9.cloned.1.call-start
scs
__scs_entry_jumppad:
0x0: {  	(pc) =	sbr.rel $0x88, $3  }
0x1: {  	(tag) =	ssettag $0x0;
	lr =	simm.s32 $0x1  }
0x2: {  	[smem:$0x3F99] =	sst lr;
	_ =	strace $0xD0000000  }
0x3: {  	_ = 	snop  }
0x4: {  	_ = 	snop  }
0x5: {  	_ = 	snop  }
0x6: {  	_ = 	snop  }
0x7: {  	_ = 	snop  }
__scs_overlays_trampoline_lowered:
0x8: {  	[smem:$0x3FA8] =	sst s0  }
0x9: {  	[smem:$0x3FA9] =	sst s1  }
0xa: {  	[smem:$0x3FAA] =	sst s2  }
0xb: {  	[smem:$0x3FAB] =	sst s3  }
0xc: {  	[smem:$0x3FAC] =	sst s4  }
0xd: {  	[smem:$0x3FAD] =	sst s5  }
0xe: {  	[smem:$0x3FAE] =	sst s6  }
0xf: {  	[smem:$0x3FAF] =	sst s7  }
0x10: {  	[smem:$0x3FB0] =	sst s8  }
0x11: {  	[smem:$0x3FB1] =	sst s9;
	s0 =	simm.s32 @!p0 $0x0  }
0x12: {  	s1 =	sld [smem:$0x3F97];
	s0 =	simm.s32 @p0 $0x1  }
0x13: {  	[smem:$0x3FB2] =	sst s0;
	s0 =	simm.s32 @!p1 $0x0  }
0x14: {  	s2 =	sld [smem:$0x3F96];
	s0 =	simm.s32 @p1 $0x1  }
0x15: {  	[smem:$0x3FB3] =	sst s0;
	s0 =	simm.s32 @!p2 $0x0  }
0x16: {  	s3 =	sld [smem:$0x3FDB];
	s0 =	simm.s32 @p2 $0x1  }
0x17: {  	s4 =	simm.s32 $0x1BF5;
	[smem:$0x3FB5] =	sst s0  }
0x18: {  	s0 =	sld [smem:$0x3F98];
	_ =	swait.ge [sflag:s4], $0x0  }
0x19: {  	s7 =	sld [smem:$0x3F99]  }
0x1a: {  	s8 =	sadd.s32 $0xFFFFE003, lr  }
0x1b: {  	s9 =	sadd.s32 $0xFFFFFEF7, lr;
	s5 =	simm.s32 $0xFFFFFFFF;
	p2 =	slt.u32 s8, $0xFFFFF086  }
0x1c: {  	p1 =	slt.u32 s9, $0xF7A;
	s5 =	simm.s32 @!p2 $0x0  }
0x1d: {  	s5 =	simm.s32 @p1 $0x1;
	p0 =	seq.s32 s7, s2  }
0x1e: {  	s7 =	smul.u32 @!p0 $0xF7A, s2;
	p2 =	seq.s32 @!p0 s5, $0x0  }
0x1f: {  	s9 =	smul.u32 $0xF7A, s1;
	s8 =	simm.s32 @!p0 $0x1BF5;
	p2 =	por !p2, p0  }
0x20: {  	[sflag:s8] =	ssyncset.s32 @!p0 $0xFFFFF086;
	s6 =	sadd.s32 @!p0 s3, s7;
	s7 =	simm.s32 @!p0 $0x108  }
0x21: {  	s3 =	sadd.s32 s3, s9;
	s6 =	sadd.s32 @!p0 $0x88, s6;
	s7 =	simm.s32 @p2 $0x1082  }
0x22: {  	[simem:s7], [sflag:s8] =	dma.local @!p0 [hbm:s6], $0xF7A  }
0x23: {  	s9 =	sor.u32 $0xD0000000, s2;
	s6 =	simm.s32 $0x108;
	_ =	swait.ge @!p0 [sflag:s8], $0x0  }
0x24: {  	s3 =	sadd.s32 $0x88, s3;
	s6 =	simm.s32 @!p1 $0x1082;
	[sflag:s4] =	ssyncset.s32 $0xFFFFF086  }
0x25: {  	[simem:s6], [sflag:s4] =	dma.local [hbm:s3], $0xF7A  }
0x26: {  	[smem:$0x3F99] =	sst s1;
	(tag) =	ssettag s2;
	_ =	strace s9  }
0x27: {  	s1 =	sld [smem:$0x3FA9]  }
0x28: {  	s2 =	sld [smem:$0x3FAA]  }
0x29: {  	s4 =	sld [smem:$0x3FAC]  }
0x2a: {  	p0 =	seq.s32 s5, $0x0;
	s5 =	sld [smem:$0x3FAD]  }
0x2b: {  	s6 =	sld [smem:$0x3FAE]  }
0x2c: {  	s7 =	sld [smem:$0x3FAF]  }
0x2d: {  	s3 =	simm.s32 $0x108;
	s8 =	sld [smem:$0x3FB0]  }
0x2e: {  	s3 =	simm.s32 @!p0 $0x1082;
	s9 =	sld [smem:$0x3FB1]  }
0x2f: {  	lr =	sadd.s32 s0, s3;
	s0 =	sld [smem:$0x3FA8]  }
0x30: {  	s3 =	sld [smem:$0x3FAB]  }
0x31: {  	[smem:$0x3FB4] =	sst s10  }
0x32: {  	s10 =	sld [smem:$0x3FB2];
	_ =	sdelay $0x3  }
0x33: {  	p0 =	seq.s32 s10, $0x1;
	s10 =	sld [smem:$0x3FB4];
	_ =	sdelay $0x3  }
0x34: {  	[smem:$0x3FB4] =	sst s10  }
0x35: {  	s10 =	sld [smem:$0x3FB3];
	_ =	sdelay $0x3  }
0x36: {  	p1 =	seq.s32 s10, $0x1;
	s10 =	sld [smem:$0x3FB4];
	_ =	sdelay $0x3  }
0x37: {  	[smem:$0x3FB4] =	sst s10  }
0x38: {  	s10 =	sld [smem:$0x3FB5]  }
0x39: {  	_ = 	snop;
	(pc) =	sbr.ind lr, $3  }
0x3a: {  	_ = 	snop  }
0x3b: {  	_ = 	snop  }
0x3c: {  	p2 =	seq.s32 s10, $0x1;
	s10 =	sld [smem:$0x3FB4]  }
0x3d: {  	_ =	shalt  }
0x3e: {  	_ =	shalt  }
0x3f: {  	_ =	shalt  }
0x40: {  	_ =	shalt  }
0x41: {  	_ =	shalt  }
0x42: {  	_ =	shalt  }
0x43: {  	_ =	shalt  }
0x44: {  	_ =	shalt  }
0x45: {  	_ =	shalt  }
0x46: {  	_ =	shalt  }
0x47: {  	_ =	shalt  }
0x48: {  	_ =	shalt  }
0x49: {  	_ =	shalt  }
0x4a: {  	_ =	shalt  }
0x4b: {  	_ =	shalt  }
0x4c: {  	_ =	shalt  }
0x4d: {  	_ =	shalt  }
0x4e: {  	_ =	shalt  }
0x4f: {  	_ =	shalt  }
0x50: {  	_ =	shalt  }
0x51: {  	_ =	shalt  }
0x52: {  	_ =	shalt  }
0x53: {  	_ =	shalt  }
0x54: {  	_ =	shalt  }
0x55: {  	_ =	shalt  }
0x56: {  	_ =	shalt  }
0x57: {  	_ =	shalt  }
0x58: {  	_ =	shalt  }
0x59: {  	_ =	shalt  }
0x5a: {  	_ =	shalt  }
0x5b: {  	_ =	shalt  }
0x5c: {  	_ =	shalt  }
0x5d: {  	_ =	shalt  }
0x5e: {  	_ =	shalt  }
0x5f: {  	_ =	shalt  }
0x60: {  	_ =	shalt  }
0x61: {  	_ =	shalt  }
0x62: {  	_ =	shalt  }
0x63: {  	_ =	shalt  }
0x64: {  	_ =	shalt  }
0x65: {  	_ =	shalt  }
0x66: {  	_ =	shalt  }
0x67: {  	_ =	shalt  }
0x68: {  	_ =	shalt  }
0x69: {  	_ =	shalt  }
0x6a: {  	_ =	shalt  }
0x6b: {  	_ =	shalt  }
0x6c: {  	_ =	shalt  }
0x6d: {  	_ =	shalt  }
0x6e: {  	_ =	shalt  }
0x6f: {  	_ =	shalt  }
0x70: {  	_ =	shalt  }
0x71: {  	_ =	shalt  }
0x72: {  	_ =	shalt  }
0x73: {  	_ =	shalt  }
0x74: {  	_ =	shalt  }
0x75: {  	_ =	shalt  }
0x76: {  	_ =	shalt  }
0x77: {  	_ =	shalt  }
0x78: {  	_ =	shalt  }
0x79: {  	_ =	shalt  }
0x7a: {  	_ =	shalt  }
0x7b: {  	_ =	shalt  }
0x7c: {  	_ =	shalt  }
0x7d: {  	_ =	shalt  }
0x7e: {  	_ =	shalt  }
0x7f: {  	_ =	shalt  }
0x80: {  	_ =	shalt  }
0x81: {  	_ =	shalt  }
0x82: {  	_ =	shalt  }
0x83: {  	_ =	shalt  }
0x84: {  	_ =	shalt  }
0x85: {  	_ =	shalt  }
0x86: {  	_ =	shalt  }
0x87: {  	_ =	shalt  }
.Lfunc_end0:
.L_simem_size_0:
called_computation.1_lowered:
.L_overlay_start_0:
0x88: {  	s2 =	sld [smem:$0x3FD9]  }
0x89: {  	s3 =	sld [smem:$0x3FFE];
	_ =	sdelay $0x1  }
0x8a: {  	s1 =	srdreg.scid  }
0x8b: {  	s0 =	sand.u32 $0x1, s1  }
0x8c: {  	s17 =	sshll.u32 s0, $0xA;
	s2 =	sadd.s32 s3, s2  }
0x8d: {  	s2 =	sadd.s32 s2, s17  }
0x8e: {  	[smem:$0x3FC0] =	sst s2  }
0x8f: {  	_ = 	snop  }
0x90: {  	s2 =	sld [smem:$0x3FD0];
	(tm) =	ssettm $0x1  }
0x91: {  	s18 =	sld [smem:$0x3FFB];
	_ =	sdelay $0x3  }
0x92: {  	_ =	strace s18  }
0x93: {  	s3 =	sld [smem:$0x3FFC];
	_ =	sdelay $0x3  }
0x94: {  	_ =	strace s3  }
0x95: {  	s3 =	sld [smem:$0x3FFD];
	_ =	sdelay $0x3  }
0x96: {  	_ =	strace s3  }
0x97: {  	_ =	strace $0x8FFFFFFF  }
0x98: {  	s19 =	sld [smem:$0x3FDB];
	_ =	sdelay $0x1  }
0x99: {  	s4 =	simm.s32 $_scs_section_size  }
0x9a: {  	s5 =	simm.s32 $_size__tile_overlayer_lowered;
	s6 =	simm.s32 $_tile_overlayer_lowered  }
0x9b: {  	s22 =	simm.s32 $0x1BFF;
	s21 =	sshll.u32 s6, $0x1;
	s3 =	sadd.s32 s4, s19  }
0x9c: {  	s7 =	simm.s32 $0x0;
	s20 =	sshll.u32 s5, $0x1;
	s5 =	sadd.s32 s21, s3  }
0x9d: {  	[timem:s7], [sflag:s22] =	dma.local [hbm:s5], s20  }
0x9e: {  	_ =	swait.ge [sflag:s22], s20  }
0x9f: {  	s4 =	ssub.s32 $0x0, s20;
	[sflag:s22] =	ssyncset.done $0x0  }
0xa0: {  	[sflag:s22] =	ssyncadd.s32 s4;
	_ =	sdelay $0x1  }
0xa1: {  	s23 =	simm.s32 $0x1B8B  }
0xa2: {  	_ =	swait.ge [sflag:s23], $0x1  }
0xa3: {  	[sflag:s23] =	ssyncset.done $0x0  }
0xa4: {  	s25 =	simm.s32 $0x1B8E;
	s24 =	sld [smem:$0x3FFE];
	[sflag:s23] =	ssyncadd.s32 $0xFFFFFFFF  }
0xa5: {  	s26 =	simm.s32 $execute0_lowered;
	[smem:$0x3FD2] =	sst s25  }
0xa6: {  	s5 =	sshll.u32 s26, $0x1;
	_ =	strace $0x80000049;
	[dreg:$0x1] =	wrdreg $0xFFFFFFFF  }
0xa7: {  	s28 =	simm.s32 $_size_execute0_lowered;
	s3 =	sadd.s32 s3, s5;
	[dreg:$0x0] =	wrdreg $0x0  }
0xa8: {  	s5 =	sshll.u32 s28, $0x1;
	[dreg:$0x2] =	wrdreg s3  }
0xa9: {  	[dreg:$0x3] =	wrdreg s5  }
0xaa: {  	[dreg:$0x4] =	wrdreg $0xC0  }
0xab: {  	_ =	task [dreg:s7], $0x5FFFF  }
0xac: {  	[dreg:$0x1] =	wrdreg $0xFFFFFFFF  }
0xad: {  	[dreg:$0x0] =	wrdreg $0x60  }
0xae: {  	[dreg:$0x2] =	wrdreg s2  }
0xaf: {  	[dreg:$0x3] =	wrdreg s24  }
0xb0: {  	[dreg:$0x4] =	wrdreg $0x0  }
0xb1: {  	[dreg:$0x5] =	wrdreg $0x9  }
0xb2: {  	_ =	task.clear_ibuf [dreg:s7], $0x6FFFF;
	_ =	strace $0x90000049  }
0xb3: {  	s29 =	simm.s32 $0x9;
	_ =	strace $0x8000004B  }
0xb4: {  	_ =	swait.ge [sflag:s29], $0x1  }
0xb5: {  	[sflag:s29] =	ssyncadd.s32 $0xFFFFFFFF  }
0xb6: {  	_ =	strace $0x9000004B  }
0xb7: {  	_ =	sfence  }
0xb8: {  	s30 =	sld [smem:$0x0];
	_ =	sdelay $0x2  }
0xb9: {  	s31 =	sshll.u32 s1, $0xD;
	s1 =	sshrl.u32 s1, $0x2  }
0xba: {  	s3 =	sand.u32 $0x4000, s31;
	s1 =	sadd.s32 s1, s30  }
0xbb: {  	s0 =	sor.u32 s3, s0;
	s1 =	sshll.u32 s1, $0x11  }
0xbc: {  	s0 =	sor.u32 s1, s0  }
0xbd: {  	s0 =	sadd.s32 $0x8F2B, s0  }
0xbe: {  	[sflag:s0] =	ssyncadd.remote.s32 $0x1  }
0xbf: {  	_ =	sfence.sel $0xFFFF  }
0xc0: {  	[dreg:$0x0] =	wrdreg $0xFFFFFFFF;
	(pc) =	sbr.abs _section_cstart, $3  }
0xc1: {  	[dreg:$0x1] =	wrdreg $0xFFFFFFFF  }
0xc2: {  	_ =	task.clear_ibuf [dreg:s7], $0x2FFFF;
	_ =	strace $0x9FFFFFFF  }
0xc3: {  	(tm) =	ssettm $0x7FFFFFFF  }
tec
execute0_lowered:
.L_overlay_start_1:
0x0: {  	(tag) =	ssettag $0x1  }
0x1: {  	s1 =	rddreg [dreg:$0x0]  }
0x2: {  	s6 =	rddreg [dreg:$0x1]  }
0x3: {  	s3 =	rddreg [dreg:$0x2]  }
0x4: {  	s0 =	srdreg.scid;
	s2 =	rddreg [dreg:$0x3];
	s4 =	simm.s32 $0x0  }
0x5: {  	s14 =	simm.s32 $0x14000;
	s15 =	simm.s32 $0x2;
	s7 =	sand.u32 $0x1, s0  }
0x6: {  	s16 =	simm.s32 $0x19000;
	s0 =	stileid.u32;
	s5 =	smul.u32 $0x27100, s7  }
0x7: {  	s17 =	simm.s32 $0x19080;
	s18 =	simm.s32 $0x50;
	s8 =	smul.u32 $0x2710, s0  }
0x8: {  	s19 =	simm.s32 $0x19100;
	s20 =	simm.s32 $0x1;
	s30 =	smul.u32 $0x140000, s7  }
0x9: {  	s23 =	simm.s32 $0x0;
	[smem:$0x7FF] =	sst s4;
	s9 =	smul.u32 $0x14000, s0  }
0xa: {  	_ =	strace $0x8000004A;
	s10 =	smul.u32 $0x50000, s0;
	s7 =	ssub.s32 $0x2, s7  }
0xb: {  	s21 =	sshll.u32 s0, $0x6;
	s31 =	sshrl.u32 s7, $0x1;
	s5 =	sadd.s32 s8, s5  }
0xc: {  	s21 =	sor.u32 $0x1C02, s21;
	s8 =	sadd.s32 s9, s30;
	s5 =	sshrl.u32 s5, $0x3  }
0xd: {  	s10 =	sshrl.u32 s10, $0x2;
	s8 =	sshrl.u32 s8, $0x3;
	s13 =	sadd.s32 s5, s6  }
0xe: {  	s5 =	sadd.s32 $0x15400, s6;
	s11 =	sadd.s32 s8, s6;
	s6 =	sadd.s32 s10, s3  }
0xf: {  	s12 =	ssub.s32 s7, s31;
	s7 =	sadd.s32 $0x5000, s6;
	s8 =	sadd.s32 $0xA000, s6  }
0x10: {  	s9 =	sadd.s32 $0xF000, s6;
	s10 =	sadd.s32 $0x15E00, s11;
	s11 =	smax.u32 s12, $0x1  }
0x11: {  	s12 =	sadd.s32 $0x1600, s13;
	s13 =	sadd.s32 $0xB400, s13;
	s22 =	sshrl.u32 s6, $0x3  }
.LBB2_1:
0x12: {  	[tilespmem:s14], [sflag:$0x2] =	stream.linear.gather [hbm4b:s5+s4], $0x5000, $0x38;
	[tilespmem:$0x1B900] =	vst v63  }
0x13: {  	_ =	swait.ge [sflag:s15], $0x5000  }
0x14: {  	[sflag:s15] =	ssyncset.done $0x0  }
0x15: {  	[sflag:s15] =	ssyncadd.s32 $0xFFFFB000  }
0x16: {  	[spmem:s6] =	stream.linear.scatter [tilespmem:s14], [sflag:$0x2], $0x5000, $0x38;
	[tilespmem:$0x1B900] =	vst v63  }
0x17: {  	_ =	swait.ge [sflag:s15], $0x5000  }
0x18: {  	[sflag:s15] =	ssyncset.done $0x0  }
0x19: {  	[sflag:s15] =	ssyncadd.s32 $0xFFFFB000  }
0x1a: {  	[spmem:s7] =	stream.linear.scatter [tilespmem:s14], [sflag:$0x2], $0x5000, $0x38;
	[tilespmem:$0x1B900] =	vst v63  }
0x1b: {  	_ =	swait.ge [sflag:s15], $0x5000  }
0x1c: {  	[sflag:s15] =	ssyncset.done $0x0  }
0x1d: {  	[sflag:s15] =	ssyncadd.s32 $0xFFFFB000  }
0x1e: {  	[spmem:s8] =	stream.linear.scatter [tilespmem:s14], [sflag:$0x2], $0x5000, $0x38;
	[tilespmem:$0x1B900] =	vst v63  }
0x1f: {  	_ =	swait.ge [sflag:s15], $0x5000  }
0x20: {  	[sflag:s15] =	ssyncset.done $0x0  }
0x21: {  	[sflag:s15] =	ssyncadd.s32 $0xFFFFB000  }
0x22: {  	[spmem:s9] =	stream.linear.scatter [tilespmem:s14], [sflag:$0x2], $0x5000, $0x38;
	[tilespmem:$0x1B900] =	vst v63  }
0x23: {  	_ =	swait.ge [sflag:s15], $0x5000  }
0x24: {  	[sflag:s15] =	ssyncset.done $0x0  }
0x25: {  	[sflag:s15] =	ssyncadd.s32 $0xFFFFB000  }
0x26: {  	s24 =	sadd.s32 $0x0, s13;
	[bflag:$0x0] =	sbarrier.arrive $0xFFFF  }
0x27: {  	[tilespmem:s16], [sflag:$0x2] =	stream.linear.gather [hbm4b:s24+s4], $0x50, $0x38;
	[tilespmem:$0x1B900] =	vst v63  }
0x28: {  	_ =	swait.ge [sflag:s15], $0x50  }
0x29: {  	[sflag:s15] =	ssyncset.done $0x0  }
0x2a: {  	s31 =	sadd.s32 $0x0, s12;
	[sflag:s15] =	ssyncadd.s32 $0xFFFFFFB0  }
0x2b: {  	[tilespmem:s17], [sflag:$0x2] =	stream.linear.gather [hbm4b:s31+s4], $0x50, $0x38;
	[tilespmem:$0x1B900] =	vst v63  }
0x2c: {  	_ =	swait.ge [sflag:s15], $0x50  }
0x2d: {  	[sflag:s15] =	ssyncset.done $0x0  }
0x2e: {  	[sflag:s15] =	ssyncadd.s32 $0xFFFFFFB0  }
0x2f: {  	[tilespmem:s19], [sflag:$0x1] =	stream.indirect.gather [hbm4b:s1+s18], $0x80, s16, s18, $0xb8;
	[tilespmem:$0x1B900] =	vst v63  }
0x30: {  	_ =	swait.ge [sflag:s20], $0x2800  }
0x31: {  	[sflag:s20] =	ssyncset.done $0x0  }
0x32: {  	[sflag:s20] =	ssyncadd.s32 $0xFFFFD800  }
0x33: {  	[spmem:s3] =	stream.indirect.scatter.add.f32 [tilespmem:s19], [sflag:$0x2], $0x80, s17, s18, $0xb8;
	[tilespmem:$0x1B900] =	vst v63  }
0x34: {  	_ =	swait.ge [sflag:s15], $0x2800  }
0x35: {  	s25 =	simm.s32 $0x14;
	s24 =	simm.s32 $0xA;
	[sflag:s15] =	ssyncset.done $0x0  }
.LBB2_2:
0x36: {  	s26 =	sadd.s32 s24, s13  }
0x37: {  	[sflag:s15] =	ssyncadd.s32 $0xFFFFD800;
	s28 =	smov.u32 s25;
	s29 =	sadd.s32 $0xA, s25  }
0x38: {  	[tilespmem:s16], [sflag:$0x2] =	stream.linear.gather [hbm4b:s26+s4], $0x50, $0x38;
	[tilespmem:$0x1B900] =	vst v63  }
0x39: {  	p0 =	sne.s32 s25, $0x4D8;
	_ =	swait.ge [sflag:s15], $0x50  }
0x3a: {  	[sflag:s15] =	ssyncset.done $0x0  }
0x3b: {  	s25 =	sadd.s32 s24, s12;
	s24 =	smov.u32 s28;
	[sflag:s15] =	ssyncadd.s32 $0xFFFFFFB0  }
0x3c: {  	[tilespmem:s17], [sflag:$0x2] =	stream.linear.gather [hbm4b:s25+s4], $0x50, $0x38;
	[tilespmem:$0x1B900] =	vst v63  }
0x3d: {  	_ =	swait.ge [sflag:s15], $0x50  }
0x3e: {  	[sflag:s15] =	ssyncset.done $0x0  }
0x3f: {  	[sflag:s15] =	ssyncadd.s32 $0xFFFFFFB0  }
0x40: {  	[tilespmem:s19], [sflag:$0x1] =	stream.indirect.gather [hbm4b:s1+s18], $0x80, s16, s18, $0xb8;
	[tilespmem:$0x1B900] =	vst v63  }
0x41: {  	_ =	swait.ge [sflag:s20], $0x2800  }
.Ltmp0:
0x42: {  	[sflag:s20] =	ssyncset.done $0x0;
	(pc) =	sbr.rel @p0 .LBB2_2-.Ltmp0, $4  }
0x43: {  	[sflag:s20] =	ssyncadd.s32 $0xFFFFD800  }
0x44: {  	[spmem:s3] =	stream.indirect.scatter.add.f32 [tilespmem:s19], [sflag:$0x2], $0x80, s17, s18, $0xb8;
	[tilespmem:$0x1B900] =	vst v63  }
0x45: {  	_ =	swait.ge [sflag:s15], $0x2800  }
0x46: {  	s25 =	smov.u32 s29;
	[sflag:s15] =	ssyncset.done $0x0  }
0x47: {  	s25 =	sadd.s32 s24, s13;
	[sflag:s15] =	ssyncadd.s32 $0xFFFFD800  }
0x48: {  	[tilespmem:s16], [sflag:$0x2] =	stream.linear.gather [hbm4b:s25+s4], $0x50, $0x38;
	[tilespmem:$0x1B900] =	vst v63  }
0x49: {  	_ =	swait.ge [sflag:s15], $0x50  }
0x4a: {  	[sflag:s15] =	ssyncset.done $0x0  }
0x4b: {  	s31 =	sadd.s32 s24, s12;
	[sflag:s15] =	ssyncadd.s32 $0xFFFFFFB0  }
0x4c: {  	[tilespmem:s17], [sflag:$0x2] =	stream.linear.gather [hbm4b:s31+s4], $0x50, $0x38;
	[tilespmem:$0x1B900] =	vst v63  }
0x4d: {  	_ =	swait.ge [sflag:s15], $0x50  }
0x4e: {  	[sflag:s15] =	ssyncset.done $0x0  }
0x4f: {  	[sflag:s15] =	ssyncadd.s32 $0xFFFFFFB0  }
0x50: {  	[tilespmem:s19], [sflag:$0x1] =	stream.indirect.gather [hbm4b:s1+s18], $0x80, s16, s18, $0xb8;
	[tilespmem:$0x1B900] =	vst v63  }
0x51: {  	_ =	swait.ge [sflag:s20], $0x2800  }
0x52: {  	[sflag:s20] =	ssyncset.done $0x0  }
0x53: {  	[sflag:s20] =	ssyncadd.s32 $0xFFFFD800  }
0x54: {  	[spmem:s3] =	stream.indirect.scatter.add.f32 [tilespmem:s19], [sflag:$0x2], $0x80, s17, s18, $0xb8;
	[tilespmem:$0x1B900] =	vst v63  }
0x55: {  	_ =	swait.ge [sflag:s15], $0x2800  }
0x56: {  	s23 =	sadd.s32 $0x1, s23;
	[sflag:s15] =	ssyncset.done $0x0  }
0x57: {  	p0 =	sne.s32 s23, s11;
	[sflag:s15] =	ssyncadd.s32 $0xFFFFD800  }
.Ltmp1:
0x58: {  	[bflag:$0x0] =	sbarrier.arrive $0xFFFF;
	(pc) =	sbr.rel @p0 .LBB2_1-.Ltmp1, $4  }
0x59: {  	[hbm:s10], [sflag:s21] =	dma.local [spmem:s22], $0x2800  }
0x5a: {  	_ =	swait.ge [sflag:s15], $0x2800  }
0x5b: {  	[sflag:s15] =	ssyncset.done $0x0  }
0x5c: {  	[sflag:s15] =	ssyncadd.s32 $0xFFFFD800  }
0x5d: {  	_ =	sfence.sel $0x180000  }
0x5e: {  	[bflag:$0x0] =	sbarrier.arrive $0xFFFF  }
0x5f: {  	p0 =	sne.s32 s0, $0x0;
	_ =	strace $0x9000004A  }
0x60: {  	s0 =	sadd.s32 @!p0 $0x100000, s2;
	[bflag:$0x2] =	sbarrier.arrive $0xFFFF  }
0x61: {  	[sflag:s0] =	ssyncadd.tile.s32 @!p0 $0x1;
	_ =	shalt  }
.Lfunc_end2:
_tile_overlayer_lowered:
.L_overlay_start_2:
0x62: {  	(tag) =	ssettag $0x2  }
0x63: {  	s0 =	rddreg [dreg:$0x0];
	s2 =	stileid.u32  }
0x64: {  	s1 =	rddreg [dreg:$0x1];
	p0 =	sne.s32 s2, $0x0  }
0x65: {  	s3 =	rddreg [dreg:$0x2];
	[bflag:$0x3] =	sbarrier.arrive $0xFFFF;
	s2 =	simm.s32 @!p0 $0x1C02  }
0x66: {  	[timem:s3], [sflag:s2] =	dma.local @!p0 [hbm:s0], s1  }
0x67: {  	s0 =	simm.s32 @!p0 $0x2  }
0x68: {  	_ =	swait.ge @!p0 [sflag:s0], s1  }
0x69: {  	s1 =	ssub.s32 @!p0 $0x0, s1;
	[sflag:s0] =	ssyncset.done @!p0 $0x0  }
0x6a: {  	[sflag:s0] =	ssyncadd.s32 @!p0 s1  }
0x6b: {  	[bflag:$0x3] =	sbarrier.arrive $0xFFFF  }
0x6c: {  	_ =	shalt  }

</sc_bundles>
